<compile_context>
chip_gen: v7x
topology: tpu7x:2x2x1
jax: 0.10.2.dev20260603
libtpu: 0.0.44.dev20260713+nightly
codegen_flags: <defaults>
</compile_context>

<pallas_src>
import functools

import jax
import jax.numpy as jnp
from jax import lax
from jax.experimental import pallas as pl
from jax.experimental.pallas import tpu as pltpu
from jax.experimental.pallas import tpu_sc as plsc

B, C, G, S, L = 32, 16, 2048, 8, 3
NC, NS = 2, 16
NW = NC * NS
BW = B // 2
PW = BW // 2
SL = S * L
NT = G // 16


def _sc_body(xpk_hbm, i_hbm, out_hbm, x_v, idx_v, out_v, sem_x, sem_i):
    w = lax.axis_index("s") * NC + lax.axis_index("c")
    c = w // 2
    b0 = (w - c * 2) * BW
    p0 = b0 // 2
    cp_x = pltpu.async_copy(xpk_hbm.at[pl.ds(p0 * G, PW * G)], x_v, sem_x)
    cp_i = pltpu.async_copy(i_hbm.at[c], idx_v, sem_i)
    cp_x.wait()
    cp_i.wait()

    def t_body(t, _):
        og = t * 16
        iv = [[idx_v[pl.ds((s * L + l) * G + og, 16)]
               for l in range(L)] for s in range(S)]

        @plsc.parallel_loop(0, PW, step=1, unroll=8)
        def p_body(p):
            poff = p * G
            acc_e = acc_o = None
            for s in range(S):
                pr = (
                    plsc.bitcast(plsc.load_gather(x_v, [iv[s][0] + poff]),
                                 jnp.bfloat16)
                    * plsc.bitcast(plsc.load_gather(x_v, [iv[s][1] + poff]),
                                   jnp.bfloat16)
                    * plsc.bitcast(plsc.load_gather(x_v, [iv[s][2] + poff]),
                                   jnp.bfloat16)
                )
                e, o = plsc.unpack(pr, format=plsc.PackFormat.INTERLEAVED)
                acc_e = e if acc_e is None else acc_e + e
                acc_o = o if acc_o is None else acc_o + o
            out_v[2 * p, pl.ds(og, 16)] = acc_e
            out_v[2 * p + 1, pl.ds(og, 16)] = acc_o

        return 0

    lax.fori_loop(0, NT, t_body, 0)
    pltpu.sync_copy(out_v, out_hbm.at[pl.ds(c * B + b0, BW)])


_sc_call = functools.partial(
    pl.kernel,
    out_type=jax.ShapeDtypeStruct((C * B, G), jnp.float32),
    mesh=plsc.VectorSubcoreMesh(core_axis_name="c", subcore_axis_name="s"),
    compiler_params=pltpu.CompilerParams(needs_layout_passes=False),
    scratch_types=[
        pltpu.VMEM((PW * G,), jnp.int32),
        pltpu.VMEM((G * SL,), jnp.int32),
        pltpu.VMEM((BW, G), jnp.float32),
        pltpu.SemaphoreType.DMA,
        pltpu.SemaphoreType.DMA,
    ],
)(_sc_body)


def kernel(x, I):
    xb = jax.lax.bitcast_convert_type(x.astype(jnp.bfloat16), jnp.uint16)
    xpk = jax.lax.bitcast_convert_type(
        xb[0::2].astype(jnp.uint32) | (xb[1::2].astype(jnp.uint32) << 16),
        jnp.int32)
    I_p = I.transpose(0, 2, 3, 1).reshape(C, SL * G)
    out = _sc_call(xpk.reshape(PW * 2 * G), I_p)
    return out.reshape(C, B, G)

# --- scband reference (transcript-rebuilt; emitter-appended) ---
"""Pipeline reference for scband-clause-infer-module-18227841204322 (READ-ONLY COPY).

The authoritative reference and input builder live on the scoring server;
editing this copy changes nothing except your own understanding.
"""

import jax, jax.numpy as jnp
import numpy as np

B, C, G, S, L = 32, 16, 2048, 8, 3

def setup_inputs(seed: int = 0) -> dict:
    key = jax.random.key(seed)
    kx, kI = jax.random.split(key)
    # x: batch of valuation vectors over G ground atoms, values in [0, 1)
    x = jax.random.uniform(kx, (B, G), dtype=jnp.float32)
    # I: clause index tensor [C, G, S, L]; entries index into the G atoms of x.
    # This is the constructor arg `I` of ClauseInferModule, materialized here.
    I = jax.random.randint(kI, (C, G, S, L), 0, G, dtype=jnp.int32)
    return {"x": x, "I": I}

def reference(x, I):
    # Faithful translation of ClauseInferModule.r_cb using ClauseBodySumFunction:
    # for each clause i:
    #   V_tild[b,g,s,l] = x[b,g] broadcast; gather along dim 1 with I[i] ->
    #   gathered[b,g,s,l] = x[b, I[i,g,s,l]]
    #   C_i[b,g] = sum_s prod_l gathered[b,g,s,l]
    # output = stack over clauses -> [C, B, G]
    gathered = jnp.take(x, I, axis=1)          # [B, C, G, S, L]
    body = jnp.prod(gathered, axis=-1)          # [B, C, G, S]  (prod over L)
    Cmat = jnp.sum(body, axis=-1)               # [B, C, G]     (sum over S)
    return jnp.transpose(Cmat, (1, 0, 2))       # [C, B, G]

if __name__ == "__main__":
    import jax
    _d = setup_inputs()
    print(jax.jit(kernel)(*tuple(_d.values())))

</pallas_src>

<mosaic_0001>
#map = affine_map<(d0, d1) -> (0)>
#map1 = affine_map<(d0, d1) -> (0, 0)>
module attributes {stable_mosaic.version = 14 : i64} {
  func.func @_sc_body(%arg0: i32, %arg1: i32, %arg2: memref<32768xi32, #tpu.memory_space<hbm>>, %arg3: memref<16x49152xi32, #tpu.memory_space<hbm>>, %arg4: memref<512x2048xf32, #tpu.memory_space<hbm>>, %arg5: memref<16384xi32, #tpu.memory_space<vmem>>, %arg6: memref<49152xi32, #tpu.memory_space<vmem>>, %arg7: memref<16x2048xf32, #tpu.memory_space<vmem>>, %arg8: memref<!tpu.dma_semaphore, #tpu.memory_space<semaphore_mem>>, %arg9: memref<!tpu.dma_semaphore, #tpu.memory_space<semaphore_mem>>) attributes {dimension_semantics = [#tpu.dimension_semantics<core_parallel>, #tpu.dimension_semantics<subcore_parallel>], iteration_bounds = array<i64: 2, 16>, scalar_prefetch = 0 : i64, scratch_operands = 5 : i64, tpu.core_type = #tpu.core_type<sc_vector_subcore>, window_params = [{transform_indices = #map}, {transform_indices = #map1}, {transform_indices = #map1}]} {
    %mul3A = arith.constant 2 : i32
    %mul3A_0 = arith.muli %arg1, %mul3A : i32
    %add3A = arith.addi %mul3A_0, %arg0 : i32
    %jit3A = arith.constant 2 : i32
    %div3A = arith.divsi %add3A, %jit3A : i32
    %sign3A = arith.constant 0 : i32
    %sign3A_1 = arith.cmpi sgt, %add3A, %sign3A : i32
    %sign3A_2 = arith.extui %sign3A_1 : i1 to i32
    %sign3A_3 = arith.constant 0 : i32
    %sign3A_4 = arith.cmpi slt, %add3A, %sign3A_3 : i32
    %sign3A_5 = arith.extui %sign3A_4 : i1 to i32
    %sign3A_6 = arith.subi %sign3A_2, %sign3A_5 : i32
    %sign3A_7 = arith.constant 0 : i32
    %sign3A_8 = arith.cmpi sgt, %jit3A, %sign3A_7 : i32
    %sign3A_9 = arith.extui %sign3A_8 : i1 to i32
    %sign3A_10 = arith.constant 0 : i32
    %sign3A_11 = arith.cmpi slt, %jit3A, %sign3A_10 : i32
    %sign3A_12 = arith.extui %sign3A_11 : i1 to i32
    %sign3A_13 = arith.subi %sign3A_9, %sign3A_12 : i32
    %ne3A = arith.cmpi ne, %sign3A_6, %sign3A_13 : i32
    %rem3A = arith.remsi %add3A, %jit3A : i32
    %ne3A_14 = arith.constant 0 : i32
    %ne3A_15 = arith.cmpi ne, %rem3A, %ne3A_14 : i32
    %and3A = arith.andi %ne3A, %ne3A_15 : i1
    %sub3A = arith.constant 1 : i32
    %sub3A_16 = arith.subi %div3A, %sub3A : i32
    %select_n3A = arith.select %and3A, %sub3A_16, %div3A : i32
    %mul3A_17 = arith.constant 2 : i32
    %mul3A_18 = arith.muli %select_n3A, %mul3A_17 : i32
    %sub3A_19 = arith.subi %add3A, %mul3A_18 : i32
    %mul3A_20 = arith.constant 16 : i32
    %mul3A_21 = arith.muli %sub3A_19, %mul3A_20 : i32
    %jit3A_22 = arith.constant 2 : i32
    %div3A_23 = arith.divsi %mul3A_21, %jit3A_22 : i32
    %sign3A_24 = arith.constant 0 : i32
    %sign3A_25 = arith.cmpi sgt, %mul3A_21, %sign3A_24 : i32
    %sign3A_26 = arith.extui %sign3A_25 : i1 to i32
    %sign3A_27 = arith.constant 0 : i32
    %sign3A_28 = arith.cmpi slt, %mul3A_21, %sign3A_27 : i32
    %sign3A_29 = arith.extui %sign3A_28 : i1 to i32
    %sign3A_30 = arith.subi %sign3A_26, %sign3A_29 : i32
    %sign3A_31 = arith.constant 0 : i32
    %sign3A_32 = arith.cmpi sgt, %jit3A_22, %sign3A_31 : i32
    %sign3A_33 = arith.extui %sign3A_32 : i1 to i32
    %sign3A_34 = arith.constant 0 : i32
    %sign3A_35 = arith.cmpi slt, %jit3A_22, %sign3A_34 : i32
    %sign3A_36 = arith.extui %sign3A_35 : i1 to i32
    %sign3A_37 = arith.subi %sign3A_33, %sign3A_36 : i32
    %ne3A_38 = arith.cmpi ne, %sign3A_30, %sign3A_37 : i32
    %rem3A_39 = arith.remsi %mul3A_21, %jit3A_22 : i32
    %ne3A_40 = arith.constant 0 : i32
    %ne3A_41 = arith.cmpi ne, %rem3A_39, %ne3A_40 : i32
    %and3A_42 = arith.andi %ne3A_38, %ne3A_41 : i1
    %sub3A_43 = arith.constant 1 : i32
    %sub3A_44 = arith.subi %div3A_23, %sub3A_43 : i32
    %select_n3A_45 = arith.select %and3A_42, %sub3A_44, %div3A_23 : i32
    %mul3A_46 = arith.constant 2048 : i32
    %mul3A_47 = arith.muli %select_n3A_45, %mul3A_46 : i32
    %dma_start3A = tpu.memref_slice %arg2[%mul3A_47] : memref<32768xi32, #tpu.memory_space<hbm>> -> memref<16384xi32, #tpu.memory_space<hbm>>
    %dma_start3A_48 = tpu.memref_slice %arg2[%mul3A_47] : memref<32768xi32, #tpu.memory_space<hbm>> -> memref<16384xi32, #tpu.memory_space<hbm>>
    tpu.enqueue_dma source(%dma_start3A_48 : memref<16384xi32, #tpu.memory_space<hbm>>) target(%arg5 : memref<16384xi32, #tpu.memory_space<vmem>>) target_semaphore(%arg8 : memref<!tpu.dma_semaphore, #tpu.memory_space<semaphore_mem>>)
    %dma_start3A_49 = arith.constant 0 : i32
    %dma_start3A_50 = tpu.memref_slice %arg3[%select_n3A, %dma_start3A_49] : memref<16x49152xi32, #tpu.memory_space<hbm>> -> memref<1x49152xi32, #tpu.memory_space<hbm>>
    %dma_start3A_51 = tpu.memref_squeeze %dma_start3A_50 : memref<1x49152xi32, #tpu.memory_space<hbm>> -> memref<49152xi32, #tpu.memory_space<hbm>>
    %dma_start3A_52 = arith.constant 0 : i32
    %dma_start3A_53 = tpu.memref_slice %arg3[%select_n3A, %dma_start3A_52] : memref<16x49152xi32, #tpu.memory_space<hbm>> -> memref<1x49152xi32, #tpu.memory_space<hbm>>
    %dma_start3A_54 = tpu.memref_squeeze %dma_start3A_53 : memref<1x49152xi32, #tpu.memory_space<hbm>> -> memref<49152xi32, #tpu.memory_space<hbm>>
    tpu.enqueue_dma source(%dma_start3A_54 : memref<49152xi32, #tpu.memory_space<hbm>>) target(%arg6 : memref<49152xi32, #tpu.memory_space<vmem>>) target_semaphore(%arg9 : memref<!tpu.dma_semaphore, #tpu.memory_space<semaphore_mem>>)
    %dma_wait3A = tpu.memref_slice %arg2[%mul3A_47] : memref<32768xi32, #tpu.memory_space<hbm>> -> memref<16384xi32, #tpu.memory_space<hbm>>
    %dma_wait3A_55 = tpu.memref_slice %arg2[%mul3A_47] : memref<32768xi32, #tpu.memory_space<hbm>> -> memref<16384xi32, #tpu.memory_space<hbm>>
    tpu.wait_dma2 semaphore(%arg8 : memref<!tpu.dma_semaphore, #tpu.memory_space<semaphore_mem>>) src(%dma_wait3A_55 : memref<16384xi32, #tpu.memory_space<hbm>>) dst(%arg5 : memref<16384xi32, #tpu.memory_space<vmem>>)
    %dma_wait3A_56 = arith.constant 0 : i32
    %dma_wait3A_57 = tpu.memref_slice %arg3[%select_n3A, %dma_wait3A_56] : memref<16x49152xi32, #tpu.memory_space<hbm>> -> memref<1x49152xi32, #tpu.memory_space<hbm>>
    %dma_wait3A_58 = tpu.memref_squeeze %dma_wait3A_57 : memref<1x49152xi32, #tpu.memory_space<hbm>> -> memref<49152xi32, #tpu.memory_space<hbm>>
    %dma_wait3A_59 = arith.constant 0 : i32
    %dma_wait3A_60 = tpu.memref_slice %arg3[%select_n3A, %dma_wait3A_59] : memref<16x49152xi32, #tpu.memory_space<hbm>> -> memref<1x49152xi32, #tpu.memory_space<hbm>>
    %dma_wait3A_61 = tpu.memref_squeeze %dma_wait3A_60 : memref<1x49152xi32, #tpu.memory_space<hbm>> -> memref<49152xi32, #tpu.memory_space<hbm>>
    tpu.wait_dma2 semaphore(%arg9 : memref<!tpu.dma_semaphore, #tpu.memory_space<semaphore_mem>>) src(%dma_wait3A_61 : memref<49152xi32, #tpu.memory_space<hbm>>) dst(%arg6 : memref<49152xi32, #tpu.memory_space<vmem>>)
    %scan3A = arith.constant 0 : i32
    %scan3A_62 = arith.constant 0 : i32
    %scan3A_63 = arith.constant 128 : i32
    %scan3A_64 = arith.addi %scan3A_62, %scan3A_63 : i32
    %scan3A_65 = arith.constant 1 : i32
    %scan3A_66 = scf.for %scan3A_71 = %scan3A_62 to %scan3A_64 step %scan3A_65 iter_args(%scan3A_72 = %scan3A) -> (i32)  : i32 {
      %mul3A_73 = arith.constant 16 : i32
      %mul3A_74 = arith.muli %scan3A_71, %mul3A_73 : i32
      %add3A_75 = arith.constant 0 : i32
      %add3A_76 = arith.addi %add3A_75, %mul3A_74 : i32
      %get3A = arith.index_cast %add3A_76 : i32 to index
      %get3A_77 = tpu.vector_load %arg6[%get3A] {strides = array<i32>} : memref<49152xi32, #tpu.memory_space<vmem>>, vector<16xi32>,
      %add3A_78 = arith.constant 2048 : i32
      %add3A_79 = arith.addi %add3A_78, %mul3A_74 : i32
      %get3A_80 = arith.index_cast %add3A_79 : i32 to index
      %get3A_81 = tpu.vector_load %arg6[%get3A_80] {strides = array<i32>} : memref<49152xi32, #tpu.memory_space<vmem>>, vector<16xi32>,
      %add3A_82 = arith.constant 4096 : i32
      %add3A_83 = arith.addi %add3A_82, %mul3A_74 : i32
      %get3A_84 = arith.index_cast %add3A_83 : i32 to index
      %get3A_85 = tpu.vector_load %arg6[%get3A_84] {strides = array<i32>} : memref<49152xi32, #tpu.memory_space<vmem>>, vector<16xi32>,
      %add3A_86 = arith.constant 6144 : i32
      %add3A_87 = arith.addi %add3A_86, %mul3A_74 : i32
      %get3A_88 = arith.index_cast %add3A_87 : i32 to index
      %get3A_89 = tpu.vector_load %arg6[%get3A_88] {strides = array<i32>} : memref<49152xi32, #tpu.memory_space<vmem>>, vector<16xi32>,
      %add3A_90 = arith.constant 8192 : i32
      %add3A_91 = arith.addi %add3A_90, %mul3A_74 : i32
      %get3A_92 = arith.index_cast %add3A_91 : i32 to index
      %get3A_93 = tpu.vector_load %arg6[%get3A_92] {strides = array<i32>} : memref<49152xi32, #tpu.memory_space<vmem>>, vector<16xi32>,
      %add3A_94 = arith.constant 10240 : i32
      %add3A_95 = arith.addi %add3A_94, %mul3A_74 : i32
      %get3A_96 = arith.index_cast %add3A_95 : i32 to index
      %get3A_97 = tpu.vector_load %arg6[%get3A_96] {strides = array<i32>} : memref<49152xi32, #tpu.memory_space<vmem>>, vector<16xi32>,
      %add3A_98 = arith.constant 12288 : i32
      %add3A_99 = arith.addi %add3A_98, %mul3A_74 : i32
      %get3A_100 = arith.index_cast %add3A_99 : i32 to index
      %get3A_101 = tpu.vector_load %arg6[%get3A_100] {strides = array<i32>} : memref<49152xi32, #tpu.memory_space<vmem>>, vector<16xi32>,
      %add3A_102 = arith.constant 14336 : i32
      %add3A_103 = arith.addi %add3A_102, %mul3A_74 : i32
      %get3A_104 = arith.index_cast %add3A_103 : i32 to index
      %get3A_105 = tpu.vector_load %arg6[%get3A_104] {strides = array<i32>} : memref<49152xi32, #tpu.memory_space<vmem>>, vector<16xi32>,
      %add3A_106 = arith.constant 16384 : i32
      %add3A_107 = arith.addi %add3A_106, %mul3A_74 : i32
      %get3A_108 = arith.index_cast %add3A_107 : i32 to index
      %get3A_109 = tpu.vector_load %arg6[%get3A_108] {strides = array<i32>} : memref<49152xi32, #tpu.memory_space<vmem>>, vector<16xi32>,
      %add3A_110 = arith.constant 18432 : i32
      %add3A_111 = arith.addi %add3A_110, %mul3A_74 : i32
      %get3A_112 = arith.index_cast %add3A_111 : i32 to index
      %get3A_113 = tpu.vector_load %arg6[%get3A_112] {strides = array<i32>} : memref<49152xi32, #tpu.memory_space<vmem>>, vector<16xi32>,
      %add3A_114 = arith.constant 20480 : i32
      %add3A_115 = arith.addi %add3A_114, %mul3A_74 : i32
      %get3A_116 = arith.index_cast %add3A_115 : i32 to index
      %get3A_117 = tpu.vector_load %arg6[%get3A_116] {strides = array<i32>} : memref<49152xi32, #tpu.memory_space<vmem>>, vector<16xi32>,
      %add3A_118 = arith.constant 22528 : i32
      %add3A_119 = arith.addi %add3A_118, %mul3A_74 : i32
      %get3A_120 = arith.index_cast %add3A_119 : i32 to index
      %get3A_121 = tpu.vector_load %arg6[%get3A_120] {strides = array<i32>} : memref<49152xi32, #tpu.memory_space<vmem>>, vector<16xi32>,
      %add3A_122 = arith.constant 24576 : i32
      %add3A_123 = arith.addi %add3A_122, %mul3A_74 : i32
      %get3A_124 = arith.index_cast %add3A_123 : i32 to index
      %get3A_125 = tpu.vector_load %arg6[%get3A_124] {strides = array<i32>} : memref<49152xi32, #tpu.memory_space<vmem>>, vector<16xi32>,
      %add3A_126 = arith.constant 26624 : i32
      %add3A_127 = arith.addi %add3A_126, %mul3A_74 : i32
      %get3A_128 = arith.index_cast %add3A_127 : i32 to index
      %get3A_129 = tpu.vector_load %arg6[%get3A_128] {strides = array<i32>} : memref<49152xi32, #tpu.memory_space<vmem>>, vector<16xi32>,
      %add3A_130 = arith.constant 28672 : i32
      %add3A_131 = arith.addi %add3A_130, %mul3A_74 : i32
      %get3A_132 = arith.index_cast %add3A_131 : i32 to index
      %get3A_133 = tpu.vector_load %arg6[%get3A_132] {strides = array<i32>} : memref<49152xi32, #tpu.memory_space<vmem>>, vector<16xi32>,
      %add3A_134 = arith.constant 30720 : i32
      %add3A_135 = arith.addi %add3A_134, %mul3A_74 : i32
      %get3A_136 = arith.index_cast %add3A_135 : i32 to index
      %get3A_137 = tpu.vector_load %arg6[%get3A_136] {strides = array<i32>} : memref<49152xi32, #tpu.memory_space<vmem>>, vector<16xi32>,
      %add3A_138 = arith.constant 32768 : i32
      %add3A_139 = arith.addi %add3A_138, %mul3A_74 : i32
      %get3A_140 = arith.index_cast %add3A_139 : i32 to index
      %get3A_141 = tpu.vector_load %arg6[%get3A_140] {strides = array<i32>} : memref<49152xi32, #tpu.memory_space<vmem>>, vector<16xi32>,
      %add3A_142 = arith.constant 34816 : i32
      %add3A_143 = arith.addi %add3A_142, %mul3A_74 : i32
      %get3A_144 = arith.index_cast %add3A_143 : i32 to index
      %get3A_145 = tpu.vector_load %arg6[%get3A_144] {strides = array<i32>} : memref<49152xi32, #tpu.memory_space<vmem>>, vector<16xi32>,
      %add3A_146 = arith.constant 36864 : i32
      %add3A_147 = arith.addi %add3A_146, %mul3A_74 : i32
      %get3A_148 = arith.index_cast %add3A_147 : i32 to index
      %get3A_149 = tpu.vector_load %arg6[%get3A_148] {strides = array<i32>} : memref<49152xi32, #tpu.memory_space<vmem>>, vector<16xi32>,
      %add3A_150 = arith.constant 38912 : i32
      %add3A_151 = arith.addi %add3A_150, %mul3A_74 : i32
      %get3A_152 = arith.index_cast %add3A_151 : i32 to index
      %get3A_153 = tpu.vector_load %arg6[%get3A_152] {strides = array<i32>} : memref<49152xi32, #tpu.memory_space<vmem>>, vector<16xi32>,
      %add3A_154 = arith.constant 40960 : i32
      %add3A_155 = arith.addi %add3A_154, %mul3A_74 : i32
      %get3A_156 = arith.index_cast %add3A_155 : i32 to index
      %get3A_157 = tpu.vector_load %arg6[%get3A_156] {strides = array<i32>} : memref<49152xi32, #tpu.memory_space<vmem>>, vector<16xi32>,
      %add3A_158 = arith.constant 43008 : i32
      %add3A_159 = arith.addi %add3A_158, %mul3A_74 : i32
      %get3A_160 = arith.index_cast %add3A_159 : i32 to index
      %get3A_161 = tpu.vector_load %arg6[%get3A_160] {strides = array<i32>} : memref<49152xi32, #tpu.memory_space<vmem>>, vector<16xi32>,
      %add3A_162 = arith.constant 45056 : i32
      %add3A_163 = arith.addi %add3A_162, %mul3A_74 : i32
      %get3A_164 = arith.index_cast %add3A_163 : i32 to index
      %get3A_165 = tpu.vector_load %arg6[%get3A_164] {strides = array<i32>} : memref<49152xi32, #tpu.memory_space<vmem>>, vector<16xi32>,
      %add3A_166 = arith.constant 47104 : i32
      %add3A_167 = arith.addi %add3A_166, %mul3A_74 : i32
      %get3A_168 = arith.index_cast %add3A_167 : i32 to index
      %get3A_169 = tpu.vector_load %arg6[%get3A_168] {strides = array<i32>} : memref<49152xi32, #tpu.memory_space<vmem>>, vector<16xi32>,
      %parallel_loop3A = arith.constant 0 : i32
      %parallel_loop3A_170 = arith.constant 8 : i32
      %parallel_loop3A_171 = arith.constant 1 : i32
      scf.for %parallel_loop3A_173 = %parallel_loop3A to %parallel_loop3A_170 step %parallel_loop3A_171  : i32 {
        %parallel_loop3A_174 = arith.constant 2048 : i32
        %parallel_loop3A_175 = arith.muli %parallel_loop3A_173, %parallel_loop3A_174 : i32
        %parallel_loop3A_176 = vector.broadcast %parallel_loop3A_175 : i32 to vector<16xi32>
        %parallel_loop3A_177 = arith.addi %get3A_77, %parallel_loop3A_176 : vector<16xi32>
        %parallel_loop3A_178 = tpu.vector_load_idx %arg5[%parallel_loop3A_177] : memref<16384xi32, #tpu.memory_space<vmem>>[vector<16xi32>], vector<16xi32>,
        %parallel_loop3A_179 = vector.bitcast %parallel_loop3A_178 : vector<16xi32> to vector<32xbf16>
        %parallel_loop3A_180 = vector.broadcast %parallel_loop3A_175 : i32 to vector<16xi32>
        %parallel_loop3A_181 = arith.addi %get3A_81, %parallel_loop3A_180 : vector<16xi32>
        %parallel_loop3A_182 = tpu.vector_load_idx %arg5[%parallel_loop3A_181] : memref<16384xi32, #tpu.memory_space<vmem>>[vector<16xi32>], vector<16xi32>,
        %parallel_loop3A_183 = vector.bitcast %parallel_loop3A_182 : vector<16xi32> to vector<32xbf16>
        %parallel_loop3A_184 = arith.mulf %parallel_loop3A_179, %parallel_loop3A_183 : vector<32xbf16>
        %parallel_loop3A_185 = vector.broadcast %parallel_loop3A_175 : i32 to vector<16xi32>
        %parallel_loop3A_186 = arith.addi %get3A_85, %parallel_loop3A_185 : vector<16xi32>
        %parallel_loop3A_187 = tpu.vector_load_idx %arg5[%parallel_loop3A_186] : memref<16384xi32, #tpu.memory_space<vmem>>[vector<16xi32>], vector<16xi32>,
        %parallel_loop3A_188 = vector.bitcast %parallel_loop3A_187 : vector<16xi32> to vector<32xbf16>
        %parallel_loop3A_189 = arith.mulf %parallel_loop3A_184, %parallel_loop3A_188 : vector<32xbf16>
        %parallel_loop3A_190 = tpu.unpack_subelements %parallel_loop3A_189, 0 {pack_format = #tpu.pack_format<interleaved>} : vector<32xbf16> -> vector<16xf32>
        %parallel_loop3A_191 = tpu.unpack_subelements %parallel_loop3A_189, 1 {pack_format = #tpu.pack_format<interleaved>} : vector<32xbf16> -> vector<16xf32>
        %parallel_loop3A_192 = vector.broadcast %parallel_loop3A_175 : i32 to vector<16xi32>
        %parallel_loop3A_193 = arith.addi %get3A_89, %parallel_loop3A_192 : vector<16xi32>
        %parallel_loop3A_194 = tpu.vector_load_idx %arg5[%parallel_loop3A_193] : memref<16384xi32, #tpu.memory_space<vmem>>[vector<16xi32>], vector<16xi32>,
        %parallel_loop3A_195 = vector.bitcast %parallel_loop3A_194 : vector<16xi32> to vector<32xbf16>
        %parallel_loop3A_196 = vector.broadcast %parallel_loop3A_175 : i32 to vector<16xi32>
        %parallel_loop3A_197 = arith.addi %get3A_93, %parallel_loop3A_196 : vector<16xi32>
        %parallel_loop3A_198 = tpu.vector_load_idx %arg5[%parallel_loop3A_197] : memref<16384xi32, #tpu.memory_space<vmem>>[vector<16xi32>], vector<16xi32>,
        %parallel_loop3A_199 = vector.bitcast %parallel_loop3A_198 : vector<16xi32> to vector<32xbf16>
        %parallel_loop3A_200 = arith.mulf %parallel_loop3A_195, %parallel_loop3A_199 : vector<32xbf16>
        %parallel_loop3A_201 = vector.broadcast %parallel_loop3A_175 : i32 to vector<16xi32>
        %parallel_loop3A_202 = arith.addi %get3A_97, %parallel_loop3A_201 : vector<16xi32>
        %parallel_loop3A_203 = tpu.vector_load_idx %arg5[%parallel_loop3A_202] : memref<16384xi32, #tpu.memory_space<vmem>>[vector<16xi32>], vector<16xi32>,
        %parallel_loop3A_204 = vector.bitcast %parallel_loop3A_203 : vector<16xi32> to vector<32xbf16>
        %parallel_loop3A_205 = arith.mulf %parallel_loop3A_200, %parallel_loop3A_204 : vector<32xbf16>
        %parallel_loop3A_206 = tpu.unpack_subelements %parallel_loop3A_205, 0 {pack_format = #tpu.pack_format<interleaved>} : vector<32xbf16> -> vector<16xf32>
        %parallel_loop3A_207 = tpu.unpack_subelements %parallel_loop3A_205, 1 {pack_format = #tpu.pack_format<interleaved>} : vector<32xbf16> -> vector<16xf32>
        %parallel_loop3A_208 = arith.addf %parallel_loop3A_190, %parallel_loop3A_206 : vector<16xf32>
        %parallel_loop3A_209 = arith.addf %parallel_loop3A_191, %parallel_loop3A_207 : vector<16xf32>
        %parallel_loop3A_210 = vector.broadcast %parallel_loop3A_175 : i32 to vector<16xi32>
        %parallel_loop3A_211 = arith.addi %get3A_101, %parallel_loop3A_210 : vector<16xi32>
        %parallel_loop3A_212 = tpu.vector_load_idx %arg5[%parallel_loop3A_211] : memref<16384xi32, #tpu.memory_space<vmem>>[vector<16xi32>], vector<16xi32>,
        %parallel_loop3A_213 = vector.bitcast %parallel_loop3A_212 : vector<16xi32> to vector<32xbf16>
        %parallel_loop3A_214 = vector.broadcast %parallel_loop3A_175 : i32 to vector<16xi32>
        %parallel_loop3A_215 = arith.addi %get3A_105, %parallel_loop3A_214 : vector<16xi32>
        %parallel_loop3A_216 = tpu.vector_load_idx %arg5[%parallel_loop3A_215] : memref<16384xi32, #tpu.memory_space<vmem>>[vector<16xi32>], vector<16xi32>,
        %parallel_loop3A_217 = vector.bitcast %parallel_loop3A_216 : vector<16xi32> to vector<32xbf16>
        %parallel_loop3A_218 = arith.mulf %parallel_loop3A_213, %parallel_loop3A_217 : vector<32xbf16>
        %parallel_loop3A_219 = vector.broadcast %parallel_loop3A_175 : i32 to vector<16xi32>
        %parallel_loop3A_220 = arith.addi %get3A_109, %parallel_loop3A_219 : vector<16xi32>
        %parallel_loop3A_221 = tpu.vector_load_idx %arg5[%parallel_loop3A_220] : memref<16384xi32, #tpu.memory_space<vmem>>[vector<16xi32>], vector<16xi32>,
        %parallel_loop3A_222 = vector.bitcast %parallel_loop3A_221 : vector<16xi32> to vector<32xbf16>
        %parallel_loop3A_223 = arith.mulf %parallel_loop3A_218, %parallel_loop3A_222 : vector<32xbf16>
        %parallel_loop3A_224 = tpu.unpack_subelements %parallel_loop3A_223, 0 {pack_format = #tpu.pack_format<interleaved>} : vector<32xbf16> -> vector<16xf32>
        %parallel_loop3A_225 = tpu.unpack_subelements %parallel_loop3A_223, 1 {pack_format = #tpu.pack_format<interleaved>} : vector<32xbf16> -> vector<16xf32>
        %parallel_loop3A_226 = arith.addf %parallel_loop3A_208, %parallel_loop3A_224 : vector<16xf32>
        %parallel_loop3A_227 = arith.addf %parallel_loop3A_209, %parallel_loop3A_225 : vector<16xf32>
        %parallel_loop3A_228 = vector.broadcast %parallel_loop3A_175 : i32 to vector<16xi32>
        %parallel_loop3A_229 = arith.addi %get3A_113, %parallel_loop3A_228 : vector<16xi32>
        %parallel_loop3A_230 = tpu.vector_load_idx %arg5[%parallel_loop3A_229] : memref<16384xi32, #tpu.memory_space<vmem>>[vector<16xi32>], vector<16xi32>,
        %parallel_loop3A_231 = vector.bitcast %parallel_loop3A_230 : vector<16xi32> to vector<32xbf16>
        %parallel_loop3A_232 = vector.broadcast %parallel_loop3A_175 : i32 to vector<16xi32>
        %parallel_loop3A_233 = arith.addi %get3A_117, %parallel_loop3A_232 : vector<16xi32>
        %parallel_loop3A_234 = tpu.vector_load_idx %arg5[%parallel_loop3A_233] : memref<16384xi32, #tpu.memory_space<vmem>>[vector<16xi32>], vector<16xi32>,
        %parallel_loop3A_235 = vector.bitcast %parallel_loop3A_234 : vector<16xi32> to vector<32xbf16>
        %parallel_loop3A_236 = arith.mulf %parallel_loop3A_231, %parallel_loop3A_235 : vector<32xbf16>
        %parallel_loop3A_237 = vector.broadcast %parallel_loop3A_175 : i32 to vector<16xi32>
        %parallel_loop3A_238 = arith.addi %get3A_121, %parallel_loop3A_237 : vector<16xi32>
        %parallel_loop3A_239 = tpu.vector_load_idx %arg5[%parallel_loop3A_238] : memref<16384xi32, #tpu.memory_space<vmem>>[vector<16xi32>], vector<16xi32>,
        %parallel_loop3A_240 = vector.bitcast %parallel_loop3A_239 : vector<16xi32> to vector<32xbf16>
        %parallel_loop3A_241 = arith.mulf %parallel_loop3A_236, %parallel_loop3A_240 : vector<32xbf16>
        %parallel_loop3A_242 = tpu.unpack_subelements %parallel_loop3A_241, 0 {pack_format = #tpu.pack_format<interleaved>} : vector<32xbf16> -> vector<16xf32>
        %parallel_loop3A_243 = tpu.unpack_subelements %parallel_loop3A_241, 1 {pack_format = #tpu.pack_format<interleaved>} : vector<32xbf16> -> vector<16xf32>
        %parallel_loop3A_244 = arith.addf %parallel_loop3A_226, %parallel_loop3A_242 : vector<16xf32>
        %parallel_loop3A_245 = arith.addf %parallel_loop3A_227, %parallel_loop3A_243 : vector<16xf32>
        %parallel_loop3A_246 = vector.broadcast %parallel_loop3A_175 : i32 to vector<16xi32>
        %parallel_loop3A_247 = arith.addi %get3A_125, %parallel_loop3A_246 : vector<16xi32>
        %parallel_loop3A_248 = tpu.vector_load_idx %arg5[%parallel_loop3A_247] : memref<16384xi32, #tpu.memory_space<vmem>>[vector<16xi32>], vector<16xi32>,
        %parallel_loop3A_249 = vector.bitcast %parallel_loop3A_248 : vector<16xi32> to vector<32xbf16>
        %parallel_loop3A_250 = vector.broadcast %parallel_loop3A_175 : i32 to vector<16xi32>
        %parallel_loop3A_251 = arith.addi %get3A_129, %parallel_loop3A_250 : vector<16xi32>
        %parallel_loop3A_252 = tpu.vector_load_idx %arg5[%parallel_loop3A_251] : memref<16384xi32, #tpu.memory_space<vmem>>[vector<16xi32>], vector<16xi32>,
        %parallel_loop3A_253 = vector.bitcast %parallel_loop3A_252 : vector<16xi32> to vector<32xbf16>
        %parallel_loop3A_254 = arith.mulf %parallel_loop3A_249, %parallel_loop3A_253 : vector<32xbf16>
        %parallel_loop3A_255 = vector.broadcast %parallel_loop3A_175 : i32 to vector<16xi32>
        %parallel_loop3A_256 = arith.addi %get3A_133, %parallel_loop3A_255 : vector<16xi32>
        %parallel_loop3A_257 = tpu.vector_load_idx %arg5[%parallel_loop3A_256] : memref<16384xi32, #tpu.memory_space<vmem>>[vector<16xi32>], vector<16xi32>,
        %parallel_loop3A_258 = vector.bitcast %parallel_loop3A_257 : vector<16xi32> to vector<32xbf16>
        %parallel_loop3A_259 = arith.mulf %parallel_loop3A_254, %parallel_loop3A_258 : vector<32xbf16>
        %parallel_loop3A_260 = tpu.unpack_subelements %parallel_loop3A_259, 0 {pack_format = #tpu.pack_format<interleaved>} : vector<32xbf16> -> vector<16xf32>
        %parallel_loop3A_261 = tpu.unpack_subelements %parallel_loop3A_259, 1 {pack_format = #tpu.pack_format<interleaved>} : vector<32xbf16> -> vector<16xf32>
        %parallel_loop3A_262 = arith.addf %parallel_loop3A_244, %parallel_loop3A_260 : vector<16xf32>
        %parallel_loop3A_263 = arith.addf %parallel_loop3A_245, %parallel_loop3A_261 : vector<16xf32>
        %parallel_loop3A_264 = vector.broadcast %parallel_loop3A_175 : i32 to vector<16xi32>
        %parallel_loop3A_265 = arith.addi %get3A_137, %parallel_loop3A_264 : vector<16xi32>
        %parallel_loop3A_266 = tpu.vector_load_idx %arg5[%parallel_loop3A_265] : memref<16384xi32, #tpu.memory_space<vmem>>[vector<16xi32>], vector<16xi32>,
        %parallel_loop3A_267 = vector.bitcast %parallel_loop3A_266 : vector<16xi32> to vector<32xbf16>
        %parallel_loop3A_268 = vector.broadcast %parallel_loop3A_175 : i32 to vector<16xi32>
        %parallel_loop3A_269 = arith.addi %get3A_141, %parallel_loop3A_268 : vector<16xi32>
        %parallel_loop3A_270 = tpu.vector_load_idx %arg5[%parallel_loop3A_269] : memref<16384xi32, #tpu.memory_space<vmem>>[vector<16xi32>], vector<16xi32>,
        %parallel_loop3A_271 = vector.bitcast %parallel_loop3A_270 : vector<16xi32> to vector<32xbf16>
        %parallel_loop3A_272 = arith.mulf %parallel_loop3A_267, %parallel_loop3A_271 : vector<32xbf16>
        %parallel_loop3A_273 = vector.broadcast %parallel_loop3A_175 : i32 to vector<16xi32>
        %parallel_loop3A_274 = arith.addi %get3A_145, %parallel_loop3A_273 : vector<16xi32>
        %parallel_loop3A_275 = tpu.vector_load_idx %arg5[%parallel_loop3A_274] : memref<16384xi32, #tpu.memory_space<vmem>>[vector<16xi32>], vector<16xi32>,
        %parallel_loop3A_276 = vector.bitcast %parallel_loop3A_275 : vector<16xi32> to vector<32xbf16>
        %parallel_loop3A_277 = arith.mulf %parallel_loop3A_272, %parallel_loop3A_276 : vector<32xbf16>
        %parallel_loop3A_278 = tpu.unpack_subelements %parallel_loop3A_277, 0 {pack_format = #tpu.pack_format<interleaved>} : vector<32xbf16> -> vector<16xf32>
        %parallel_loop3A_279 = tpu.unpack_subelements %parallel_loop3A_277, 1 {pack_format = #tpu.pack_format<interleaved>} : vector<32xbf16> -> vector<16xf32>
        %parallel_loop3A_280 = arith.addf %parallel_loop3A_262, %parallel_loop3A_278 : vector<16xf32>
        %parallel_loop3A_281 = arith.addf %parallel_loop3A_263, %parallel_loop3A_279 : vector<16xf32>
        %parallel_loop3A_282 = vector.broadcast %parallel_loop3A_175 : i32 to vector<16xi32>
        %parallel_loop3A_283 = arith.addi %get3A_149, %parallel_loop3A_282 : vector<16xi32>
        %parallel_loop3A_284 = tpu.vector_load_idx %arg5[%parallel_loop3A_283] : memref<16384xi32, #tpu.memory_space<vmem>>[vector<16xi32>], vector<16xi32>,
        %parallel_loop3A_285 = vector.bitcast %parallel_loop3A_284 : vector<16xi32> to vector<32xbf16>
        %parallel_loop3A_286 = vector.broadcast %parallel_loop3A_175 : i32 to vector<16xi32>
        %parallel_loop3A_287 = arith.addi %get3A_153, %parallel_loop3A_286 : vector<16xi32>
        %parallel_loop3A_288 = tpu.vector_load_idx %arg5[%parallel_loop3A_287] : memref<16384xi32, #tpu.memory_space<vmem>>[vector<16xi32>], vector<16xi32>,
        %parallel_loop3A_289 = vector.bitcast %parallel_loop3A_288 : vector<16xi32> to vector<32xbf16>
        %parallel_loop3A_290 = arith.mulf %parallel_loop3A_285, %parallel_loop3A_289 : vector<32xbf16>
        %parallel_loop3A_291 = vector.broadcast %parallel_loop3A_175 : i32 to vector<16xi32>
        %parallel_loop3A_292 = arith.addi %get3A_157, %parallel_loop3A_291 : vector<16xi32>
        %parallel_loop3A_293 = tpu.vector_load_idx %arg5[%parallel_loop3A_292] : memref<16384xi32, #tpu.memory_space<vmem>>[vector<16xi32>], vector<16xi32>,
        %parallel_loop3A_294 = vector.bitcast %parallel_loop3A_293 : vector<16xi32> to vector<32xbf16>
        %parallel_loop3A_295 = arith.mulf %parallel_loop3A_290, %parallel_loop3A_294 : vector<32xbf16>
        %parallel_loop3A_296 = tpu.unpack_subelements %parallel_loop3A_295, 0 {pack_format = #tpu.pack_format<interleaved>} : vector<32xbf16> -> vector<16xf32>
        %parallel_loop3A_297 = tpu.unpack_subelements %parallel_loop3A_295, 1 {pack_format = #tpu.pack_format<interleaved>} : vector<32xbf16> -> vector<16xf32>
        %parallel_loop3A_298 = arith.addf %parallel_loop3A_280, %parallel_loop3A_296 : vector<16xf32>
        %parallel_loop3A_299 = arith.addf %parallel_loop3A_281, %parallel_loop3A_297 : vector<16xf32>
        %parallel_loop3A_300 = vector.broadcast %parallel_loop3A_175 : i32 to vector<16xi32>
        %parallel_loop3A_301 = arith.addi %get3A_161, %parallel_loop3A_300 : vector<16xi32>
        %parallel_loop3A_302 = tpu.vector_load_idx %arg5[%parallel_loop3A_301] : memref<16384xi32, #tpu.memory_space<vmem>>[vector<16xi32>], vector<16xi32>,
        %parallel_loop3A_303 = vector.bitcast %parallel_loop3A_302 : vector<16xi32> to vector<32xbf16>
        %parallel_loop3A_304 = vector.broadcast %parallel_loop3A_175 : i32 to vector<16xi32>
        %parallel_loop3A_305 = arith.addi %get3A_165, %parallel_loop3A_304 : vector<16xi32>
        %parallel_loop3A_306 = tpu.vector_load_idx %arg5[%parallel_loop3A_305] : memref<16384xi32, #tpu.memory_space<vmem>>[vector<16xi32>], vector<16xi32>,
        %parallel_loop3A_307 = vector.bitcast %parallel_loop3A_306 : vector<16xi32> to vector<32xbf16>
        %parallel_loop3A_308 = arith.mulf %parallel_loop3A_303, %parallel_loop3A_307 : vector<32xbf16>
        %parallel_loop3A_309 = vector.broadcast %parallel_loop3A_175 : i32 to vector<16xi32>
        %parallel_loop3A_310 = arith.addi %get3A_169, %parallel_loop3A_309 : vector<16xi32>
        %parallel_loop3A_311 = tpu.vector_load_idx %arg5[%parallel_loop3A_310] : memref<16384xi32, #tpu.memory_space<vmem>>[vector<16xi32>], vector<16xi32>,
        %parallel_loop3A_312 = vector.bitcast %parallel_loop3A_311 : vector<16xi32> to vector<32xbf16>
        %parallel_loop3A_313 = arith.mulf %parallel_loop3A_308, %parallel_loop3A_312 : vector<32xbf16>
        %parallel_loop3A_314 = tpu.unpack_subelements %parallel_loop3A_313, 0 {pack_format = #tpu.pack_format<interleaved>} : vector<32xbf16> -> vector<16xf32>
        %parallel_loop3A_315 = tpu.unpack_subelements %parallel_loop3A_313, 1 {pack_format = #tpu.pack_format<interleaved>} : vector<32xbf16> -> vector<16xf32>
        %parallel_loop3A_316 = arith.addf %parallel_loop3A_298, %parallel_loop3A_314 : vector<16xf32>
        %parallel_loop3A_317 = arith.addf %parallel_loop3A_299, %parallel_loop3A_315 : vector<16xf32>
        %parallel_loop3A_318 = arith.constant 2 : i32
        %parallel_loop3A_319 = arith.muli %parallel_loop3A_318, %parallel_loop3A_173 : i32
        %parallel_loop3A_320 = arith.index_cast %parallel_loop3A_319 : i32 to index
        %parallel_loop3A_321 = arith.index_cast %mul3A_74 : i32 to index
        %parallel_loop3A_322 = tpu.vector_load %arg7[%parallel_loop3A_320, %parallel_loop3A_321] {strides = array<i32>} : memref<16x2048xf32, #tpu.memory_space<vmem>>, vector<16xf32>,
        tpu.vector_store %arg7[%parallel_loop3A_320, %parallel_loop3A_321], %parallel_loop3A_316 {strides = array<i32>} : memref<16x2048xf32, #tpu.memory_space<vmem>>, vector<16xf32>,
        %parallel_loop3A_323 = arith.constant 2 : i32
        %parallel_loop3A_324 = arith.muli %parallel_loop3A_323, %parallel_loop3A_173 : i32
        %parallel_loop3A_325 = arith.constant 1 : i32
        %parallel_loop3A_326 = arith.addi %parallel_loop3A_324, %parallel_loop3A_325 : i32
        %parallel_loop3A_327 = arith.index_cast %parallel_loop3A_326 : i32 to index
        %parallel_loop3A_328 = arith.index_cast %mul3A_74 : i32 to index
        %parallel_loop3A_329 = tpu.vector_load %arg7[%parallel_loop3A_327, %parallel_loop3A_328] {strides = array<i32>} : memref<16x2048xf32, #tpu.memory_space<vmem>>, vector<16xf32>,
        tpu.vector_store %arg7[%parallel_loop3A_327, %parallel_loop3A_328], %parallel_loop3A_317 {strides = array<i32>} : memref<16x2048xf32, #tpu.memory_space<vmem>>, vector<16xf32>,
      } {sc.loop_unroll_factor = 8 : i64, sc.parallel_access}
      %scan3A_172 = arith.constant 0 : i32
      scf.yield %scan3A_172 : i32
    }
    %scan3A_67 = arith.constant 128 : i32
    %mul3A_68 = arith.constant 32 : i32
    %mul3A_69 = arith.muli %select_n3A, %mul3A_68 : i32
    %add3A_70 = arith.addi %mul3A_69, %mul3A_21 : i32
    "tpu.region"() ({
      %run_scoped3A = tpu.sem_alloc : memref<!tpu.dma_semaphore, #tpu.memory_space<semaphore_mem>>
      %dma_start3A_71 = arith.constant 0 : i32
      %dma_start3A_72 = tpu.memref_slice %arg4[%add3A_70, %dma_start3A_71] : memref<512x2048xf32, #tpu.memory_space<hbm>> -> memref<16x2048xf32, #tpu.memory_space<hbm>>
      %dma_start3A_73 = arith.constant 0 : i32
      %dma_start3A_74 = tpu.memref_slice %arg4[%add3A_70, %dma_start3A_73] : memref<512x2048xf32, #tpu.memory_space<hbm>> -> memref<16x2048xf32, #tpu.memory_space<hbm>>
      tpu.enqueue_dma source(%arg7 : memref<16x2048xf32, #tpu.memory_space<vmem>>) target(%dma_start3A_74 : memref<16x2048xf32, #tpu.memory_space<hbm>>) target_semaphore(%run_scoped3A : memref<!tpu.dma_semaphore, #tpu.memory_space<semaphore_mem>>)
      %dma_wait3A_75 = arith.constant 0 : i32
      %dma_wait3A_76 = tpu.memref_slice %arg4[%add3A_70, %dma_wait3A_75] : memref<512x2048xf32, #tpu.memory_space<hbm>> -> memref<16x2048xf32, #tpu.memory_space<hbm>>
      %dma_wait3A_77 = arith.constant 0 : i32
      %dma_wait3A_78 = tpu.memref_slice %arg4[%add3A_70, %dma_wait3A_77] : memref<512x2048xf32, #tpu.memory_space<hbm>> -> memref<16x2048xf32, #tpu.memory_space<hbm>>
      tpu.wait_dma2 semaphore(%run_scoped3A : memref<!tpu.dma_semaphore, #tpu.memory_space<semaphore_mem>>) src(%arg7 : memref<16x2048xf32, #tpu.memory_space<vmem>>) dst(%dma_wait3A_78 : memref<16x2048xf32, #tpu.memory_space<hbm>>)
      tpu.yield
    }) : () -> ()
    return
  }
}

</mosaic_0001>

<sc_bundles>
// kernel: kernel.3.cloned.1.call-start
scs
__scs_entry_jumppad:
0x0: {  	(pc) =	sbr.rel $0x88, $3  }
0x1: {  	(tag) =	ssettag $0x0;
	lr =	simm.s32 $0x1  }
0x2: {  	[smem:$0x3F9F] =	sst lr;
	_ =	strace $0xD0000000  }
0x3: {  	_ = 	snop  }
0x4: {  	_ = 	snop  }
0x5: {  	_ = 	snop  }
0x6: {  	_ = 	snop  }
0x7: {  	_ = 	snop  }
__scs_overlays_trampoline_lowered:
0x8: {  	[smem:$0x3FAE] =	sst s0  }
0x9: {  	[smem:$0x3FAF] =	sst s1  }
0xa: {  	[smem:$0x3FB0] =	sst s2  }
0xb: {  	[smem:$0x3FB1] =	sst s3  }
0xc: {  	[smem:$0x3FB2] =	sst s4  }
0xd: {  	[smem:$0x3FB3] =	sst s5  }
0xe: {  	[smem:$0x3FB4] =	sst s6  }
0xf: {  	[smem:$0x3FB5] =	sst s7  }
0x10: {  	[smem:$0x3FB6] =	sst s8  }
0x11: {  	[smem:$0x3FB7] =	sst s9;
	s0 =	simm.s32 @!p0 $0x0  }
0x12: {  	s1 =	sld [smem:$0x3F9D];
	s0 =	simm.s32 @p0 $0x1  }
0x13: {  	[smem:$0x3FB8] =	sst s0;
	s0 =	simm.s32 @!p1 $0x0  }
0x14: {  	s2 =	sld [smem:$0x3F9C];
	s0 =	simm.s32 @p1 $0x1  }
0x15: {  	[smem:$0x3FB9] =	sst s0;
	s0 =	simm.s32 @!p2 $0x0  }
0x16: {  	s3 =	sld [smem:$0x3FDB];
	s0 =	simm.s32 @p2 $0x1  }
0x17: {  	s4 =	simm.s32 $0x1BF5;
	[smem:$0x3FBB] =	sst s0  }
0x18: {  	s0 =	sld [smem:$0x3F9E];
	_ =	swait.ge [sflag:s4], $0x0  }
0x19: {  	s7 =	sld [smem:$0x3F9F]  }
0x1a: {  	s8 =	sadd.s32 $0xFFFFE003, lr  }
0x1b: {  	s9 =	sadd.s32 $0xFFFFFEF7, lr;
	s5 =	simm.s32 $0xFFFFFFFF;
	p2 =	slt.u32 s8, $0xFFFFF086  }
0x1c: {  	p1 =	slt.u32 s9, $0xF7A;
	s5 =	simm.s32 @!p2 $0x0  }
0x1d: {  	s5 =	simm.s32 @p1 $0x1;
	p0 =	seq.s32 s7, s2  }
0x1e: {  	s7 =	smul.u32 @!p0 $0xF7A, s2;
	p2 =	seq.s32 @!p0 s5, $0x0  }
0x1f: {  	s9 =	smul.u32 $0xF7A, s1;
	s8 =	simm.s32 @!p0 $0x1BF5;
	p2 =	por !p2, p0  }
0x20: {  	[sflag:s8] =	ssyncset.s32 @!p0 $0xFFFFF086;
	s6 =	sadd.s32 @!p0 s3, s7;
	s7 =	simm.s32 @!p0 $0x108  }
0x21: {  	s3 =	sadd.s32 s3, s9;
	s6 =	sadd.s32 @!p0 $0x88, s6;
	s7 =	simm.s32 @p2 $0x1082  }
0x22: {  	[simem:s7], [sflag:s8] =	dma.local @!p0 [hbm:s6], $0xF7A  }
0x23: {  	s9 =	sor.u32 $0xD0000000, s2;
	s6 =	simm.s32 $0x108;
	_ =	swait.ge @!p0 [sflag:s8], $0x0  }
0x24: {  	s3 =	sadd.s32 $0x88, s3;
	s6 =	simm.s32 @!p1 $0x1082;
	[sflag:s4] =	ssyncset.s32 $0xFFFFF086  }
0x25: {  	[simem:s6], [sflag:s4] =	dma.local [hbm:s3], $0xF7A  }
0x26: {  	[smem:$0x3F9F] =	sst s1;
	(tag) =	ssettag s2;
	_ =	strace s9  }
0x27: {  	s1 =	sld [smem:$0x3FAF]  }
0x28: {  	s2 =	sld [smem:$0x3FB0]  }
0x29: {  	s4 =	sld [smem:$0x3FB2]  }
0x2a: {  	p0 =	seq.s32 s5, $0x0;
	s5 =	sld [smem:$0x3FB3]  }
0x2b: {  	s6 =	sld [smem:$0x3FB4]  }
0x2c: {  	s7 =	sld [smem:$0x3FB5]  }
0x2d: {  	s3 =	simm.s32 $0x108;
	s8 =	sld [smem:$0x3FB6]  }
0x2e: {  	s3 =	simm.s32 @!p0 $0x1082;
	s9 =	sld [smem:$0x3FB7]  }
0x2f: {  	lr =	sadd.s32 s0, s3;
	s0 =	sld [smem:$0x3FAE]  }
0x30: {  	s3 =	sld [smem:$0x3FB1]  }
0x31: {  	[smem:$0x3FBA] =	sst s10  }
0x32: {  	s10 =	sld [smem:$0x3FB8];
	_ =	sdelay $0x3  }
0x33: {  	p0 =	seq.s32 s10, $0x1;
	s10 =	sld [smem:$0x3FBA];
	_ =	sdelay $0x3  }
0x34: {  	[smem:$0x3FBA] =	sst s10  }
0x35: {  	s10 =	sld [smem:$0x3FB9];
	_ =	sdelay $0x3  }
0x36: {  	p1 =	seq.s32 s10, $0x1;
	s10 =	sld [smem:$0x3FBA];
	_ =	sdelay $0x3  }
0x37: {  	[smem:$0x3FBA] =	sst s10  }
0x38: {  	s10 =	sld [smem:$0x3FBB]  }
0x39: {  	_ = 	snop;
	(pc) =	sbr.ind lr, $3  }
0x3a: {  	_ = 	snop  }
0x3b: {  	_ = 	snop  }
0x3c: {  	p2 =	seq.s32 s10, $0x1;
	s10 =	sld [smem:$0x3FBA]  }
0x3d: {  	_ =	shalt  }
0x3e: {  	_ =	shalt  }
0x3f: {  	_ =	shalt  }
0x40: {  	_ =	shalt  }
0x41: {  	_ =	shalt  }
0x42: {  	_ =	shalt  }
0x43: {  	_ =	shalt  }
0x44: {  	_ =	shalt  }
0x45: {  	_ =	shalt  }
0x46: {  	_ =	shalt  }
0x47: {  	_ =	shalt  }
0x48: {  	_ =	shalt  }
0x49: {  	_ =	shalt  }
0x4a: {  	_ =	shalt  }
0x4b: {  	_ =	shalt  }
0x4c: {  	_ =	shalt  }
0x4d: {  	_ =	shalt  }
0x4e: {  	_ =	shalt  }
0x4f: {  	_ =	shalt  }
0x50: {  	_ =	shalt  }
0x51: {  	_ =	shalt  }
0x52: {  	_ =	shalt  }
0x53: {  	_ =	shalt  }
0x54: {  	_ =	shalt  }
0x55: {  	_ =	shalt  }
0x56: {  	_ =	shalt  }
0x57: {  	_ =	shalt  }
0x58: {  	_ =	shalt  }
0x59: {  	_ =	shalt  }
0x5a: {  	_ =	shalt  }
0x5b: {  	_ =	shalt  }
0x5c: {  	_ =	shalt  }
0x5d: {  	_ =	shalt  }
0x5e: {  	_ =	shalt  }
0x5f: {  	_ =	shalt  }
0x60: {  	_ =	shalt  }
0x61: {  	_ =	shalt  }
0x62: {  	_ =	shalt  }
0x63: {  	_ =	shalt  }
0x64: {  	_ =	shalt  }
0x65: {  	_ =	shalt  }
0x66: {  	_ =	shalt  }
0x67: {  	_ =	shalt  }
0x68: {  	_ =	shalt  }
0x69: {  	_ =	shalt  }
0x6a: {  	_ =	shalt  }
0x6b: {  	_ =	shalt  }
0x6c: {  	_ =	shalt  }
0x6d: {  	_ =	shalt  }
0x6e: {  	_ =	shalt  }
0x6f: {  	_ =	shalt  }
0x70: {  	_ =	shalt  }
0x71: {  	_ =	shalt  }
0x72: {  	_ =	shalt  }
0x73: {  	_ =	shalt  }
0x74: {  	_ =	shalt  }
0x75: {  	_ =	shalt  }
0x76: {  	_ =	shalt  }
0x77: {  	_ =	shalt  }
0x78: {  	_ =	shalt  }
0x79: {  	_ =	shalt  }
0x7a: {  	_ =	shalt  }
0x7b: {  	_ =	shalt  }
0x7c: {  	_ =	shalt  }
0x7d: {  	_ =	shalt  }
0x7e: {  	_ =	shalt  }
0x7f: {  	_ =	shalt  }
0x80: {  	_ =	shalt  }
0x81: {  	_ =	shalt  }
0x82: {  	_ =	shalt  }
0x83: {  	_ =	shalt  }
0x84: {  	_ =	shalt  }
0x85: {  	_ =	shalt  }
0x86: {  	_ =	shalt  }
0x87: {  	_ =	shalt  }
.Lfunc_end0:
.L_simem_size_0:
called_computation_lowered:
.L_overlay_start_0:
0x88: {  	s2 =	sld [smem:$0x3FD9]  }
0x89: {  	s3 =	sld [smem:$0x3FFE];
	_ =	sdelay $0x1  }
0x8a: {  	s1 =	srdreg.scid  }
0x8b: {  	s0 =	sand.u32 $0x1, s1  }
0x8c: {  	s17 =	sshll.u32 s0, $0xA;
	s2 =	sadd.s32 s3, s2  }
0x8d: {  	s2 =	sadd.s32 s2, s17  }
0x8e: {  	[smem:$0x3FC6] =	sst s2  }
0x8f: {  	_ = 	snop  }
0x90: {  	s2 =	sld [smem:$0x3FD0];
	(tm) =	ssettm $0x1  }
0x91: {  	s18 =	sld [smem:$0x3FFB];
	_ =	sdelay $0x3  }
0x92: {  	_ =	strace s18  }
0x93: {  	s3 =	sld [smem:$0x3FFC];
	_ =	sdelay $0x3  }
0x94: {  	_ =	strace s3  }
0x95: {  	s3 =	sld [smem:$0x3FFD];
	_ =	sdelay $0x3  }
0x96: {  	_ =	strace s3  }
0x97: {  	_ =	strace $0x8FFFFFFF  }
0x98: {  	s19 =	sld [smem:$0x3FDB];
	_ =	sdelay $0x1  }
0x99: {  	s4 =	simm.s32 $_scs_section_size  }
0x9a: {  	s5 =	simm.s32 $_size__tile_overlayer_lowered;
	s6 =	simm.s32 $_tile_overlayer_lowered  }
0x9b: {  	s22 =	simm.s32 $0x1BFF;
	s21 =	sshll.u32 s6, $0x1;
	s3 =	sadd.s32 s4, s19  }
0x9c: {  	s7 =	simm.s32 $0x0;
	s20 =	sshll.u32 s5, $0x1;
	s5 =	sadd.s32 s21, s3  }
0x9d: {  	[timem:s7], [sflag:s22] =	dma.local [hbm:s5], s20  }
0x9e: {  	_ =	swait.ge [sflag:s22], s20  }
0x9f: {  	s4 =	ssub.s32 $0x0, s20;
	[sflag:s22] =	ssyncset.done $0x0  }
0xa0: {  	[sflag:s22] =	ssyncadd.s32 s4;
	_ =	sdelay $0x1  }
0xa1: {  	s23 =	simm.s32 $0x1B8B  }
0xa2: {  	_ =	swait.ge [sflag:s23], $0x1  }
0xa3: {  	[sflag:s23] =	ssyncset.done $0x0  }
0xa4: {  	s25 =	simm.s32 $0x1B8E;
	s24 =	sld [smem:$0x3FFE];
	[sflag:s23] =	ssyncadd.s32 $0xFFFFFFFF  }
0xa5: {  	s26 =	simm.s32 $execute0_lowered;
	[smem:$0x3FD2] =	sst s25  }
0xa6: {  	s5 =	sshll.u32 s26, $0x1;
	_ =	strace $0x80000046;
	[dreg:$0x1] =	wrdreg $0xFFFFFFFF  }
0xa7: {  	s28 =	simm.s32 $_size_execute0_lowered;
	s3 =	sadd.s32 s3, s5;
	[dreg:$0x0] =	wrdreg $0x0  }
0xa8: {  	s5 =	sshll.u32 s28, $0x1;
	[dreg:$0x2] =	wrdreg s3  }
0xa9: {  	[dreg:$0x3] =	wrdreg s5  }
0xaa: {  	[dreg:$0x4] =	wrdreg $0xC0  }
0xab: {  	_ =	task [dreg:s7], $0x5FFFF  }
0xac: {  	[dreg:$0x1] =	wrdreg $0xFFFFFFFF  }
0xad: {  	[dreg:$0x0] =	wrdreg $0x60  }
0xae: {  	[dreg:$0x2] =	wrdreg s24  }
0xaf: {  	[dreg:$0x3] =	wrdreg s2  }
0xb0: {  	[dreg:$0x4] =	wrdreg $0x9  }
0xb1: {  	_ =	task.clear_ibuf [dreg:s7], $0x5FFFF;
	_ =	strace $0x90000046  }
0xb2: {  	s29 =	simm.s32 $0x9;
	_ =	strace $0x80000048  }
0xb3: {  	_ =	swait.ge [sflag:s29], $0x1  }
0xb4: {  	[sflag:s29] =	ssyncadd.s32 $0xFFFFFFFF  }
0xb5: {  	_ =	strace $0x90000048  }
0xb6: {  	_ =	sfence  }
0xb7: {  	s30 =	sld [smem:$0x0];
	_ =	sdelay $0x2  }
0xb8: {  	s31 =	sshll.u32 s1, $0xD;
	s1 =	sshrl.u32 s1, $0x2  }
0xb9: {  	s3 =	sand.u32 $0x4000, s31;
	s1 =	sadd.s32 s1, s30  }
0xba: {  	s0 =	sor.u32 s3, s0;
	s1 =	sshll.u32 s1, $0x11  }
0xbb: {  	s0 =	sor.u32 s1, s0  }
0xbc: {  	s0 =	sadd.s32 $0x8F2B, s0  }
0xbd: {  	[sflag:s0] =	ssyncadd.remote.s32 $0x1  }
0xbe: {  	_ =	sfence.sel $0xFFFF  }
0xbf: {  	[dreg:$0x0] =	wrdreg $0xFFFFFFFF;
	(pc) =	sbr.abs _section_cstart, $3  }
0xc0: {  	[dreg:$0x1] =	wrdreg $0xFFFFFFFF  }
0xc1: {  	_ =	task.clear_ibuf [dreg:s7], $0x2FFFF;
	_ =	strace $0x9FFFFFFF  }
0xc2: {  	(tm) =	ssettm $0x7FFFFFFF  }
0xc3: {  	_ =	shalt  }
tec
execute0_lowered:
.L_overlay_start_1:
0x0: {  	(tag) =	ssettag $0x1  }
0x1: {  	s1 =	srdreg.scid  }
0x2: {  	s0 =	stileid.u32;
	s5 =	rddreg [dreg:$0x0];
	s6 =	simm.s32 $0x1  }
0x3: {  	s7 =	rddreg [dreg:$0x1];
	s4 =	sand.u32 $0x1, s1;
	s26 =	sshll.u32 s0, $0x1  }
0x4: {  	s2 =	simm.s32 $0x0;
	s11 =	simm.s32 $0x10000;
	s3 =	sor.u32 s4, s26  }
0x5: {  	s12 =	simm.s32 $0x3;
	p1 =	seq.s32 s4, $0x1;
	p0 =	seq.s32 s3, $0x0  }
0x6: {  	s13 =	simm.s32 $0x0;
	s1 =	rddreg [dreg:$0x2];
	p0 =	por !p0, !p1  }
0x7: {  	[smem:$0x7FF] =	sst s2;
	s4 =	ssub.s32 $0x2, s4;
	p0 =	por !p0, !p0  }
0x8: {  	_ =	strace $0x80000047;
	s30 =	sshrl.u32 s4, $0x1;
	s6 =	simm.s32 @!p0 $0x0  }
0x9: {  	s3 =	sshll.u32 s3, $0x4;
	s31 =	ssub.s32 s4, s30;
	s6 =	ssub.s32 s0, s6  }
0xa: {  	s8 =	sshll.u32 s6, $0x5;
	s9 =	sshrl.u32 s6, $0x3;
	s29 =	sshll.u32 s6, $0x7  }
0xb: {  	s6 =	sshll.u32 s6, $0x10;
	s8 =	ssub.s32 s3, s8;
	s28 =	smul.u32 $0x60000, s9  }
0xc: {  	s9 =	sand.u32 $0x380, s29;
	s3 =	simm.s32 $0x1;
	s10 =	sshll.u32 s8, $0x7  }
0xd: {  	s8 =	sshll.u32 s8, $0xB;
	s10 =	sand.u32 $0x1FFFF800, s10;
	s9 =	sor.u32 s9, s28  }
0xe: {  	s6 =	sadd.s32 s6, s8;
	s8 =	simm.s32 $0x80;
	s9 =	sshrl.u32 s9, $0x3  }
0xf: {  	s10 =	sadd.s32 s10, s5;
	s6 =	sshrl.u32 s6, $0x3;
	s5 =	sadd.s32 s9, s5  }
0x10: {  	s4 =	sadd.s32 $0x400, s10;
	s6 =	sadd.s32 s7, s6;
	s7 =	smax.u32 s31, $0x1  }
0x11: {  	s9 =	simm.s32 $0x400;
	s10 =	simm.s32 $0x2;
	s5 =	sadd.s32 $0x1400, s5  }
.LBB2_1:
0x12: {  	[tilespmem:s2], [sflag:$0x1] =	stream.linear.gather [hbm4b:s4+s2], $0x4000, $0x38;
	[tilespmem:$0x18000] =	vst v63  }
0x13: {  	s14 =	simm.s32 $0x4000  }
0x14: {  	[tilespmem:s14], [sflag:$0x2] =	stream.strided.gather [hbm4b:s5+s8], $0xC000, s9, s8, $0x38;
	[tilespmem:$0x18000] =	vst v63  }
0x15: {  	_ =	swait.ge [sflag:s3], $0x4000  }
0x16: {  	[sflag:s3] =	ssyncset.done $0x0  }
0x17: {  	[sflag:s3] =	ssyncadd.s32 $0xFFFFC000  }
0x18: {  	_ =	swait.ge [sflag:s10], $0xC000  }
0x19: {  	s15 =	simm.s32 $0x0;
	[sflag:s10] =	ssyncset.done $0x0  }
0x1a: {  	s16 =	simm.s32 $0x0;
	s17 =	simm.s32 $0x0;
	[sflag:s10] =	ssyncadd.s32 $0xFFFF4000  }
.LBB2_2:
0x1b: {  	v23 =	vld [tilespmem:s14+$0x0];
	s18 =	sand.u32 $0x7F0, s17  }
0x1c: {  	v22 =	vld [tilespmem:s18+$0x4800]  }
0x1d: {  	v21 =	vld [tilespmem:s18+$0x5000]  }
0x1e: {  	v20 =	vld [tilespmem:s18+$0x5800]  }
0x1f: {  	v19 =	vld [tilespmem:s18+$0x6000]  }
0x20: {  	v18 =	vld [tilespmem:s18+$0x6800]  }
0x21: {  	v17 =	vld [tilespmem:s18+$0x7000]  }
0x22: {  	v16 =	vld [tilespmem:s18+$0x7800]  }
0x23: {  	v15 =	vld [tilespmem:s18+$0x8000]  }
0x24: {  	v14 =	vld [tilespmem:s18+$0x8800]  }
0x25: {  	v13 =	vld [tilespmem:s18+$0x9000]  }
0x26: {  	v12 =	vld [tilespmem:s18+$0x9800]  }
0x27: {  	v11 =	vld [tilespmem:s18+$0xA000]  }
0x28: {  	v10 =	vld [tilespmem:s18+$0xA800]  }
0x29: {  	v9 =	vld [tilespmem:s18+$0xB000]  }
0x2a: {  	v8 =	vld [tilespmem:s18+$0xB800]  }
0x2b: {  	v7 =	vld [tilespmem:s18+$0xC000]  }
0x2c: {  	v6 =	vld [tilespmem:s18+$0xC800]  }
0x2d: {  	v5 =	vld [tilespmem:s18+$0xD000]  }
0x2e: {  	v4 =	vld [tilespmem:s18+$0xD800]  }
0x2f: {  	v3 =	vld [tilespmem:s18+$0xE000]  }
0x30: {  	v2 =	vld [tilespmem:s18+$0xE800]  }
0x31: {  	v1 =	vld [tilespmem:s18+$0xF000]  }
0x32: {  	v0 =	vld [tilespmem:s18+$0xF800]  }
0x33: {  	v24 =	vld.idx.msk [tilespmem:v23+s2+$0x0], $0xffff  }
0x34: {  	v25 =	vld.idx.msk [tilespmem:v22+s2+$0x0], $0xffff  }
0x35: {  	v26 =	vld.idx.msk [tilespmem:v21+s2+$0x0], $0xffff  }
0x36: {  	v27 =	vld.idx.msk [tilespmem:v20+s2+$0x0], $0xffff  }
0x37: {  	v28 =	vld.idx.msk [tilespmem:v19+s2+$0x0], $0xffff  }
0x38: {  	v29 =	vld.idx.msk [tilespmem:v18+s2+$0x0], $0xffff  }
0x39: {  	v30 =	vld.idx.msk [tilespmem:v17+s2+$0x0], $0xffff  }
0x3a: {  	v31 =	vld.idx.msk [tilespmem:v16+s2+$0x0], $0xffff  }
0x3b: {  	v32 =	vld.idx.msk [tilespmem:v15+s2+$0x0], $0xffff  }
0x3c: {  	v33 =	vld.idx.msk [tilespmem:v14+s2+$0x0], $0xffff  }
0x3d: {  	v34 =	vld.idx.msk [tilespmem:v13+s2+$0x0], $0xffff  }
0x3e: {  	v35 =	vld.idx.msk [tilespmem:v12+s2+$0x0], $0xffff  }
0x3f: {  	v36 =	vld.idx.msk [tilespmem:v11+s2+$0x0], $0xffff  }
0x40: {  	v37 =	vld.idx.msk [tilespmem:v10+s2+$0x0], $0xffff  }
0x41: {  	v38 =	vld.idx.msk [tilespmem:v9+s2+$0x0], $0xffff  }
0x42: {  	v39 =	vld.idx.msk [tilespmem:v8+s2+$0x0], $0xffff  }
0x43: {  	v40 =	vld.idx.msk [tilespmem:v7+s2+$0x0], $0xffff  }
0x44: {  	v49 =	vadd.s32 $0x800, v20;
	v41 =	vld.idx.msk [tilespmem:v6+s2+$0x0], $0xffff  }
0x45: {  	v42 =	vld.idx.msk [tilespmem:v5+s2+$0x0], $0xffff  }
0x46: {  	v48 =	vadd.s32 $0x800, v21;
	v43 =	vld.idx.msk [tilespmem:v4+s2+$0x0], $0xffff  }
0x47: {  	v57 =	vadd.s32 $0x800, v18;
	v45 =	vld.idx.msk [tilespmem:v3+s2+$0x0], $0xffff  }
0x48: {  	v56 =	vadd.s32 $0x800, v11;
	v47 =	vld.idx.msk [tilespmem:v2+s2+$0x0], $0xffff  }
0x49: {  	v46 =	vadd.s32 $0x800, v22;
	v49 =	vld.idx.msk [tilespmem:v49+s2+$0x0], $0xffff  }
0x4a: {  	v44 =	vadd.s32 $0x800, v23;
	v50 =	vadd.s32 $0x800, v19;
	v24 =	vmul.bf16 v25, v24;
	v25 =	vld.idx.msk [tilespmem:v1+s2+$0x0], $0xffff  }
0x4b: {  	v58 =	vadd.s32 $0x800, v17;
	v59 =	vadd.s32 $0x800, v16;
	v30 =	vmul.bf16 v31, v30;
	v31 =	vld.idx.msk [tilespmem:v48+s2+$0x0], $0xffff  }
0x4c: {  	v53 =	vadd.s32 $0x800, v15;
	v27 =	vmul.bf16 v28, v27;
	v60 =	vmul.bf16 v34, v33;
	v33 =	vld.idx.msk [tilespmem:v57+s2+$0x0], $0xffff  }
0x4d: {  	v63 =	vadd.s32 $0x800, v12;
	v54 =	vadd.s32 $0x1000, v16;
	v55 =	vadd.s32 $0x1800, v17;
	v48 =	vld.idx.msk [tilespmem:v56+s2+$0x0], $0xffff  }
0x4e: {  	v34 =	vadd.s32 $0x800, v13;
	v24 =	vmul.bf16 v26, v24;
	v27 =	vmul.bf16 v29, v27;
	v29 =	vld.idx.msk [tilespmem:v46+s2+$0x0], $0xffff  }
0x4f: {  	v57 =	vmul.bf16 v37, v36;
	v56 =	vadd.s32 $0x800, v6;
	v30 =	vmul.bf16 v32, v30;
	v32 =	vld.idx.msk [tilespmem:v50+s2+$0x0], $0xffff  }
0x50: {  	v50 =	vadd.s32 $0x800, v14;
	v46 =	vld.idx.msk [tilespmem:v58+s2+$0x0], $0xffff;
	v58 =	vadd.s32 $0x800, v10;
	v51 =	vunpack.i.u.bf16.f32 v24  }
0x51: {  	v28 =	vld.idx.msk [tilespmem:v0+s2+$0x0], $0xffff;
	v24 =	vunpack.i.l.bf16.f32 v24;
	v52 =	vunpack.i.u.bf16.f32 v27;
	v27 =	vunpack.i.l.bf16.f32 v27  }
0x52: {  	v36 =	vld.idx.msk [tilespmem:v53+s2+$0x0], $0xffff;
	v62 =	vunpack.i.u.bf16.f32 v30;
	v30 =	vunpack.i.l.bf16.f32 v30;
	v24 =	vadd.f32 v27, v24  }
0x53: {  	v26 =	vld.idx.msk [tilespmem:v44+s2+$0x0], $0xffff;
	v61 =	vadd.f32 v52, v51;
	v27 =	vmul.bf16 v35, v60;
	v60 =	vadd.s32 $0x800, v9  }
0x54: {  	v35 =	vld.idx.msk [tilespmem:v59+s2+$0x0], $0xffff;
	v25 =	vmul.bf16 v25, v47;
	v51 =	vadd.s32 $0x1000, v12;
	v24 =	vadd.f32 v30, v24  }
0x55: {  	v34 =	vld.idx.msk [tilespmem:v34+s2+$0x0], $0xffff;
	v44 =	vadd.f32 v62, v61;
	v59 =	vunpack.i.u.bf16.f32 v27;
	v27 =	vunpack.i.l.bf16.f32 v27  }
0x56: {  	v50 =	vld.idx.msk [tilespmem:v50+s2+$0x0], $0xffff;
	v30 =	vmul.bf16 v38, v57;
	v38 =	vadd.s32 $0x800, v8;
	v61 =	vmul.bf16 v40, v39  }
0x57: {  	v62 =	vadd.s32 $0x800, v7;
	v37 =	vld.idx.msk [tilespmem:v58+s2+$0x0], $0xffff;
	v58 =	vmul.bf16 v43, v42;
	v25 =	vmul.bf16 v28, v25  }
0x58: {  	v39 =	vld.idx.msk [tilespmem:v63+s2+$0x0], $0xffff;
	v57 =	vadd.s32 $0x800, v5;
	v26 =	vmul.bf16 v29, v26;
	v32 =	vmul.bf16 v32, v49  }
0x59: {  	v24 =	vadd.f32 v27, v24;
	v44 =	vadd.f32 v59, v44;
	v63 =	vunpack.i.u.bf16.f32 v30;
	v42 =	vld.idx.msk [tilespmem:v60+s2+$0x0], $0xffff  }
0x5a: {  	v30 =	vunpack.i.l.bf16.f32 v30;
	v27 =	vmul.bf16 v41, v61;
	v59 =	vadd.s32 $0x800, v4;
	v51 =	vld.idx.msk [tilespmem:v51+s2+$0x0], $0xffff  }
0x5b: {  	v61 =	vadd.s32 $0x800, v3;
	v26 =	vmul.bf16 v31, v26;
	v24 =	vadd.f32 v30, v24;
	v38 =	vld.idx.msk [tilespmem:v38+s2+$0x0], $0xffff  }
0x5c: {  	v44 =	vadd.f32 v63, v44;
	v60 =	vunpack.i.u.bf16.f32 v27;
	v63 =	vadd.s32 $0x800, v1;
	v40 =	vld.idx.msk [tilespmem:v62+s2+$0x0], $0xffff  }
0x5d: {  	v27 =	vunpack.i.l.bf16.f32 v27;
	v30 =	vmul.bf16 v45, v58;
	v62 =	vadd.s32 $0x800, v2;
	v41 =	vld.idx.msk [tilespmem:v57+s2+$0x0], $0xffff  }
0x5e: {  	v57 =	vadd.s32 $0x800, v0;
	v24 =	vadd.f32 v27, v24;
	v27 =	vld.idx.msk [tilespmem:v56+s2+$0x0], $0xffff;
	v44 =	vadd.f32 v60, v44  }
0x5f: {  	v35 =	vmul.bf16 v35, v46;
	v58 =	vadd.s32 $0x1000, v23;
	v56 =	vunpack.i.u.bf16.f32 v30;
	v28 =	vld.idx.msk [tilespmem:v59+s2+$0x0], $0xffff  }
0x60: {  	v30 =	vunpack.i.l.bf16.f32 v30;
	v60 =	vadd.s32 $0x1000, v22;
	v59 =	vadd.f32 v56, v44;
	v44 =	vld.idx.msk [tilespmem:v61+s2+$0x0], $0xffff  }
0x61: {  	v35 =	vmul.bf16 v36, v35;
	v24 =	vadd.f32 v30, v24;
	v56 =	vadd.s32 $0x1000, v21;
	v47 =	vld.idx.msk [tilespmem:v63+s2+$0x0], $0xffff  }
0x62: {  	v61 =	vunpack.i.u.bf16.f32 v25;
	v25 =	vunpack.i.l.bf16.f32 v25;
	v63 =	vadd.s32 $0x1000, v19;
	v29 =	vld.idx.msk [tilespmem:v62+s2+$0x0], $0xffff  }
0x63: {  	v62 =	vadd.s32 $0x1000, v20;
	v25 =	vadd.f32 v25, v24;
	v31 =	vld.idx.msk [tilespmem:v57+s2+$0x0], $0xffff;
	v57 =	vmul.bf16 v33, v32  }
0x64: {  	v24 =	vadd.f32 v61, v59;
	v32 =	vld.idx.msk [tilespmem:v58+s2+$0x0], $0xffff;
	v58 =	vadd.s32 $0x1000, v18;
	v59 =	vunpack.i.u.bf16.f32 v26  }
0x65: {  	v26 =	vunpack.i.l.bf16.f32 v26;
	v46 =	vld.idx.msk [tilespmem:v60+s2+$0x0], $0xffff;
	v60 =	vadd.s32 $0x1000, v17;
	v61 =	vunpack.i.u.bf16.f32 v57  }
0x66: {  	v30 =	vunpack.i.l.bf16.f32 v57;
	v57 =	vunpack.i.u.bf16.f32 v35;
	v28 =	vmul.bf16 v28, v41;
	v45 =	vld.idx.msk [tilespmem:v56+s2+$0x0], $0xffff  }
0x67: {  	v56 =	vadd.s32 $0x1000, v15;
	v43 =	vadd.f32 v61, v59;
	v59 =	vmul.bf16 v37, v48;
	v37 =	vld.idx.msk [tilespmem:v54+s2+$0x0], $0xffff  }
0x68: {  	v26 =	vadd.f32 v30, v26;
	v28 =	vmul.bf16 v44, v28;
	v44 =	vadd.s32 $0x1000, v3;
	v36 =	vld.idx.msk [tilespmem:v62+s2+$0x0], $0xffff  }
0x69: {  	v35 =	vunpack.i.l.bf16.f32 v35;
	v62 =	vmul.bf16 v34, v50;
	v34 =	vld.idx.msk [tilespmem:v63+s2+$0x0], $0xffff;
	v63 =	vadd.s32 $0x1000, v14  }
0x6a: {  	v33 =	vld.idx.msk [tilespmem:v58+s2+$0x0], $0xffff;
	v58 =	vadd.s32 $0x1000, v13;
	v26 =	vadd.f32 v35, v26;
	v43 =	vadd.f32 v57, v43  }
0x6b: {  	v35 =	vmul.bf16 v42, v59;
	v57 =	vadd.s32 $0x1000, v8;
	v30 =	vmul.bf16 v39, v62;
	v39 =	vld.idx.msk [tilespmem:v60+s2+$0x0], $0xffff  }
0x6c: {  	v59 =	vadd.s32 $0x1000, v7;
	v32 =	vmul.bf16 v46, v32;
	v46 =	vadd.s32 $0x1800, v22;
	v49 =	vld.idx.msk [tilespmem:v56+s2+$0x0], $0xffff  }
0x6d: {  	v60 =	vadd.s32 $0x1000, v11;
	v62 =	vadd.s32 $0x1000, v10;
	v56 =	vmul.bf16 v40, v38;
	v44 =	vld.idx.msk [tilespmem:v44+s2+$0x0], $0xffff  }
0x6e: {  	v32 =	vmul.bf16 v45, v32;
	v61 =	vunpack.i.u.bf16.f32 v30;
	v30 =	vunpack.i.l.bf16.f32 v30;
	v42 =	vld.idx.msk [tilespmem:v63+s2+$0x0], $0xffff  }
0x6f: {  	v63 =	vadd.s32 $0x1000, v9;
	v26 =	vadd.f32 v30, v26;
	v38 =	vld.idx.msk [tilespmem:v58+s2+$0x0], $0xffff;
	v43 =	vadd.f32 v61, v43  }
0x70: {  	v58 =	vunpack.i.u.bf16.f32 v35;
	v35 =	vunpack.i.l.bf16.f32 v35;
	v27 =	vmul.bf16 v27, v56;
	v40 =	vld.idx.msk [tilespmem:v57+s2+$0x0], $0xffff  }
0x71: {  	v61 =	vadd.s32 $0x1000, v5;
	v56 =	vmul.bf16 v47, v29;
	v29 =	vld.idx.msk [tilespmem:v59+s2+$0x0], $0xffff;
	v57 =	vadd.s32 $0x1000, v2  }
0x72: {  	v59 =	vadd.s32 $0x1000, v1;
	v34 =	vmul.bf16 v34, v36;
	v30 =	vld.idx.msk [tilespmem:v60+s2+$0x0], $0xffff;
	v60 =	vadd.s32 $0x1000, v6  }
0x73: {  	v26 =	vadd.f32 v35, v26;
	v35 =	vld.idx.msk [tilespmem:v62+s2+$0x0], $0xffff;
	v43 =	vadd.f32 v58, v43;
	v62 =	vunpack.i.u.bf16.f32 v27  }
0x74: {  	v46 =	vld.idx.msk [tilespmem:v46+s2+$0x0], $0xffff;
	v27 =	vunpack.i.l.bf16.f32 v27;
	v58 =	vunpack.i.u.bf16.f32 v28;
	v28 =	vunpack.i.l.bf16.f32 v28  }
0x75: {  	v37 =	vmul.bf16 v37, v39;
	v43 =	vadd.f32 v62, v43;
	v62 =	vadd.s32 $0x1800, v23;
	v50 =	vld.idx.msk [tilespmem:v63+s2+$0x0], $0xffff  }
0x76: {  	v26 =	vadd.f32 v27, v26;
	v27 =	vmul.bf16 v31, v56;
	v63 =	vadd.s32 $0x1000, v4;
	v31 =	vld.idx.msk [tilespmem:v61+s2+$0x0], $0xffff  }
0x77: {  	v37 =	vmul.bf16 v49, v37;
	v49 =	vadd.s32 $0x1800, v16;
	v36 =	vld.idx.msk [tilespmem:v57+s2+$0x0], $0xffff;
	v57 =	vadd.s32 $0x1800, v21  }
0x78: {  	v45 =	vld.idx.msk [tilespmem:v59+s2+$0x0], $0xffff;
	v59 =	vmul.bf16 v33, v34;
	v29 =	vmul.bf16 v29, v40;
	v40 =	vadd.s32 $0x1800, v9  }
0x79: {  	v26 =	vadd.f32 v28, v26;
	v61 =	vadd.f32 v58, v43;
	v58 =	vadd.s32 $0x1800, v20;
	v48 =	vld.idx.msk [tilespmem:v60+s2+$0x0], $0xffff  }
0x7a: {  	v60 =	vadd.s32 $0x1000, v0;
	v28 =	vunpack.i.l.bf16.f32 v59;
	v30 =	vmul.bf16 v35, v30;
	v39 =	vld.idx.msk [tilespmem:v62+s2+$0x0], $0xffff  }
0x7b: {  	v62 =	vadd.s32 $0x1800, v18;
	v43 =	vld.idx.msk [tilespmem:v63+s2+$0x0], $0xffff;
	v63 =	vunpack.i.u.bf16.f32 v27;
	v27 =	vunpack.i.l.bf16.f32 v27  }
0x7c: {  	v47 =	vld.idx.msk [tilespmem:v57+s2+$0x0], $0xffff;
	v57 =	vmul.bf16 v38, v42;
	v30 =	vmul.bf16 v50, v30;
	v27 =	vadd.f32 v27, v26  }
0x7d: {  	v35 =	vld.idx.msk [tilespmem:v55+s2+$0x0], $0xffff;
	v26 =	vadd.f32 v63, v61;
	v61 =	vunpack.i.u.bf16.f32 v32;
	v32 =	vunpack.i.l.bf16.f32 v32  }
0x7e: {  	v63 =	vunpack.i.u.bf16.f32 v59;
	v38 =	vld.idx.msk [tilespmem:v58+s2+$0x0], $0xffff;
	v58 =	vadd.s32 $0x1800, v15;
	v59 =	vunpack.i.u.bf16.f32 v37  }
0x7f: {  	v37 =	vunpack.i.l.bf16.f32 v37;
	v33 =	vld.idx.msk [tilespmem:v60+s2+$0x0], $0xffff;
	v60 =	vadd.s32 $0x1800, v19;
	v28 =	vadd.f32 v28, v32  }
0x80: {  	v49 =	vld.idx.msk [tilespmem:v49+s2+$0x0], $0xffff;
	v41 =	vadd.f32 v63, v61;
	v32 =	vmul.bf16 v51, v57;
	v61 =	vadd.s32 $0x1800, v13  }
0x81: {  	v57 =	vadd.s32 $0x1800, v11;
	v29 =	vmul.bf16 v48, v29;
	v51 =	vld.idx.msk [tilespmem:v62+s2+$0x0], $0xffff;
	v62 =	vadd.s32 $0x1800, v12  }
0x82: {  	v40 =	vld.idx.msk [tilespmem:v40+s2+$0x0], $0xffff;
	v28 =	vadd.f32 v37, v28;
	v41 =	vadd.f32 v59, v41;
	v63 =	vunpack.i.u.bf16.f32 v32  }
0x83: {  	v32 =	vunpack.i.l.bf16.f32 v32;
	v59 =	vunpack.i.u.bf16.f32 v30;
	v42 =	vld.idx.msk [tilespmem:v58+s2+$0x0], $0xffff;
	v58 =	vadd.s32 $0x1800, v10  }
0x84: {  	v28 =	vadd.f32 v32, v28;
	v41 =	vadd.f32 v63, v41;
	v63 =	vadd.s32 $0x1800, v6;
	v34 =	vld.idx.msk [tilespmem:v60+s2+$0x0], $0xffff  }
0x85: {  	v30 =	vunpack.i.l.bf16.f32 v30;
	v60 =	vadd.s32 $0x1800, v14;
	v52 =	vld.idx.msk [tilespmem:v61+s2+$0x0], $0xffff;
	v61 =	vadd.s32 $0x1800, v7  }
0x86: {  	v28 =	vadd.f32 v30, v28;
	v41 =	vadd.f32 v59, v41;
	v59 =	vmul.bf16 v45, v36;
	v37 =	vld.idx.msk [tilespmem:v62+s2+$0x0], $0xffff  }
0x87: {  	v45 =	vadd.s32 $0x1800, v3;
	v62 =	vmul.bf16 v43, v31;
	v31 =	vld.idx.msk [tilespmem:v57+s2+$0x0], $0xffff;
	v57 =	vunpack.i.u.bf16.f32 v29  }
0x88: {  	v29 =	vunpack.i.l.bf16.f32 v29;
	v41 =	vadd.f32 v57, v41;
	v57 =	vadd.s32 $0x1800, v0;
	v50 =	vld.idx.msk [tilespmem:v58+s2+$0x0], $0xffff  }
0x89: {  	v28 =	vadd.f32 v29, v28;
	v29 =	vmul.bf16 v33, v59;
	v59 =	vadd.s32 $0x2000, v23;
	v33 =	vld.idx.msk [tilespmem:v63+s2+$0x0], $0xffff  }
0x8a: {  	v54 =	vadd.s32 $0x2000, v21;
	v32 =	vld.idx.msk [tilespmem:v60+s2+$0x0], $0xffff;
	v60 =	vadd.s32 $0x1800, v8  }
0x8b: {  	v39 =	vmul.bf16 v46, v39;
	v35 =	vmul.bf16 v49, v35;
	v48 =	vld.idx.msk [tilespmem:v61+s2+$0x0], $0xffff;
	v61 =	vadd.s32 $0x1800, v2  }
0x8c: {  	v30 =	vmul.bf16 v44, v62;
	v44 =	vadd.s32 $0x1800, v4;
	v34 =	vmul.bf16 v34, v38;
	v38 =	vld.idx.msk [tilespmem:v45+s2+$0x0], $0xffff  }
0x8d: {  	v39 =	vmul.bf16 v47, v39;
	v58 =	vadd.s32 $0x1800, v5;
	v62 =	vadd.s32 $0x1800, v1;
	v49 =	vld.idx.msk [tilespmem:v57+s2+$0x0], $0xffff  }
0x8e: {  	v35 =	vmul.bf16 v42, v35;
	v45 =	vadd.s32 $0x2000, v22;
	v46 =	vld.idx.msk [tilespmem:v59+s2+$0x0], $0xffff;
	v57 =	vadd.s32 $0x2000, v11  }
0x8f: {  	v31 =	vmul.bf16 v50, v31;
	v50 =	vadd.s32 $0x2000, v8;
	v36 =	vld.idx.msk [tilespmem:v60+s2+$0x0], $0xffff;
	v60 =	vunpack.i.u.bf16.f32 v30  }
0x90: {  	v30 =	vunpack.i.l.bf16.f32 v30;
	v47 =	vld.idx.msk [tilespmem:v61+s2+$0x0], $0xffff;
	v61 =	vunpack.i.u.bf16.f32 v39;
	v32 =	vmul.bf16 v52, v32  }
0x91: {  	v44 =	vld.idx.msk [tilespmem:v44+s2+$0x0], $0xffff;
	v52 =	vadd.s32 $0x2000, v16;
	v28 =	vadd.f32 v30, v28;
	v63 =	vadd.f32 v60, v41  }
0x92: {  	v41 =	vld.idx.msk [tilespmem:v58+s2+$0x0], $0xffff;
	v58 =	vunpack.i.u.bf16.f32 v29;
	v29 =	vunpack.i.l.bf16.f32 v29;
	v30 =	vmul.bf16 v51, v34  }
0x93: {  	v39 =	vunpack.i.l.bf16.f32 v39;
	v34 =	vld.idx.msk [tilespmem:v62+s2+$0x0], $0xffff;
	v60 =	vadd.s32 $0x2000, v20;
	v29 =	vadd.f32 v29, v28  }
0x94: {  	v42 =	vld.idx.msk [tilespmem:v45+s2+$0x0], $0xffff;
	v28 =	vadd.f32 v58, v63;
	v63 =	vunpack.i.u.bf16.f32 v30;
	v30 =	vunpack.i.l.bf16.f32 v30  }
0x95: {  	v62 =	vadd.s32 $0x2000, v19;
	v30 =	vadd.f32 v30, v39;
	v39 =	vld.idx.msk [tilespmem:v54+s2+$0x0], $0xffff  }
0x96: {  	v56 =	vadd.s32 $0x2000, v18;
	v55 =	vadd.s32 $0x2000, v15;
	v58 =	vadd.s32 $0x2000, v17;
	v50 =	vld.idx.msk [tilespmem:v50+s2+$0x0], $0xffff  }
0x97: {  	v59 =	vunpack.i.u.bf16.f32 v35;
	v35 =	vunpack.i.l.bf16.f32 v35;
	v31 =	vmul.bf16 v40, v31;
	v40 =	vld.idx.msk [tilespmem:v52+s2+$0x0], $0xffff  }
0x98: {  	v32 =	vmul.bf16 v37, v32;
	v51 =	vadd.f32 v63, v61;
	v61 =	vadd.s32 $0x2000, v13;
	v52 =	vld.idx.msk [tilespmem:v57+s2+$0x0], $0xffff  }
0x99: {  	v63 =	vadd.s32 $0x2000, v12;
	v43 =	vld.idx.msk [tilespmem:v60+s2+$0x0], $0xffff;
	v60 =	vadd.s32 $0x2000, v14;
	v30 =	vadd.f32 v35, v30  }
0x9a: {  	v37 =	vld.idx.msk [tilespmem:v62+s2+$0x0], $0xffff;
	v51 =	vadd.f32 v59, v51;
	v62 =	vunpack.i.u.bf16.f32 v32;
	v32 =	vunpack.i.l.bf16.f32 v32  }
0x9b: {  	v59 =	vunpack.i.u.bf16.f32 v31;
	v31 =	vunpack.i.l.bf16.f32 v31;
	v45 =	vld.idx.msk [tilespmem:v58+s2+$0x0], $0xffff;
	v58 =	vmul.bf16 v48, v36  }
0x9c: {  	v35 =	vld.idx.msk [tilespmem:v56+s2+$0x0], $0xffff;
	v42 =	vmul.bf16 v42, v46;
	v30 =	vadd.f32 v32, v30;
	v48 =	vadd.s32 $0x2000, v10  }
0x9d: {  	v32 =	vmul.bf16 v33, v58;
	v33 =	vld.idx.msk [tilespmem:v61+s2+$0x0], $0xffff;
	v61 =	vmul.bf16 v44, v41;
	v44 =	vadd.s32 $0x2000, v7  }
0x9e: {  	v56 =	vadd.s32 $0x3000, v23;
	v51 =	vadd.f32 v62, v51;
	v41 =	vld.idx.msk [tilespmem:v63+s2+$0x0], $0xffff;
	v63 =	vadd.s32 $0x2000, v6  }
0x9f: {  	v36 =	vld.idx.msk [tilespmem:v55+s2+$0x0], $0xffff;
	v55 =	vadd.s32 $0x2800, v20;
	v58 =	vadd.s32 $0x3000, v20;
	v20 =	vadd.s32 $0x3800, v20  }
0xa0: {  	v30 =	vadd.f32 v31, v30;
	v51 =	vadd.f32 v59, v51;
	v53 =	vld.idx.msk [tilespmem:v60+s2+$0x0], $0xffff;
	v60 =	vadd.s32 $0x2000, v9  }
0xa1: {  	v59 =	vmul.bf16 v34, v47;
	v47 =	vadd.s32 $0x2000, v4;
	v31 =	vmul.bf16 v38, v61;
	v38 =	vld.idx.msk [tilespmem:v48+s2+$0x0], $0xffff  }
0xa2: {  	v62 =	vunpack.i.u.bf16.f32 v32;
	v32 =	vunpack.i.l.bf16.f32 v32;
	v61 =	vadd.s32 $0x2000, v3;
	v44 =	vld.idx.msk [tilespmem:v44+s2+$0x0], $0xffff  }
0xa3: {  	v39 =	vmul.bf16 v39, v42;
	v48 =	vadd.s32 $0x2000, v5;
	v30 =	vadd.f32 v32, v30;
	v54 =	vld.idx.msk [tilespmem:v63+s2+$0x0], $0xffff  }
0xa4: {  	v51 =	vadd.f32 v62, v51;
	v32 =	vmul.bf16 v49, v59;
	v49 =	vadd.s32 $0x2800, v21;
	v20 =	vld.idx.msk [tilespmem:v20+s2+$0x0], $0xffff  }
0xa5: {  	v62 =	vadd.s32 $0x2000, v2;
	v40 =	vmul.bf16 v40, v45;
	v34 =	vld.idx.msk [tilespmem:v60+s2+$0x0], $0xffff;
	v60 =	vunpack.i.u.bf16.f32 v31  }
0xa6: {  	v63 =	vadd.s32 $0x2000, v1;
	v51 =	vadd.f32 v60, v51;
	v60 =	vmul.bf16 v37, v43;
	v37 =	vld.idx.msk [tilespmem:v47+s2+$0x0], $0xffff  }
0xa7: {  	v57 =	vunpack.i.u.bf16.f32 v32;
	v59 =	vunpack.i.l.bf16.f32 v32;
	v36 =	vmul.bf16 v36, v40;
	v42 =	vld.idx.msk [tilespmem:v61+s2+$0x0], $0xffff  }
0xa8: {  	v31 =	vunpack.i.l.bf16.f32 v31;
	v33 =	vmul.bf16 v33, v53;
	v43 =	vadd.s32 $0x2800, v23;
	v46 =	vld.idx.msk [tilespmem:v48+s2+$0x0], $0xffff  }
0xa9: {  	v30 =	vadd.f32 v31, v30;
	v61 =	vadd.s32 $0x2800, v22;
	v47 =	vadd.s32 $0x2800, v17;
	v49 =	vld.idx.msk [tilespmem:v49+s2+$0x0], $0xffff  }
0xaa: {  	v23 =	vadd.s32 $0x3800, v23;
	v48 =	vadd.s32 $0x2000, v0;
	v33 =	vmul.bf16 v41, v33;
	v41 =	vld.idx.msk [tilespmem:v55+s2+$0x0], $0xffff  }
0xab: {  	v55 =	vadd.s32 $0x2800, v15;
	v31 =	vadd.f32 v59, v30;
	v32 =	vmul.bf16 v35, v60;
	v35 =	vld.idx.msk [tilespmem:v62+s2+$0x0], $0xffff  }
0xac: {  	v30 =	vadd.f32 v57, v51;
	v62 =	vunpack.i.u.bf16.f32 v39;
	v60 =	vadd.s32 $0x2800, v19;
	v45 =	vld.idx.msk [tilespmem:v63+s2+$0x0], $0xffff  }
0xad: {  	v39 =	vunpack.i.l.bf16.f32 v39;
	v63 =	vunpack.i.u.bf16.f32 v32;
	v32 =	vunpack.i.l.bf16.f32 v32;
	v40 =	vld.idx.msk [tilespmem:v43+s2+$0x0], $0xffff  }
0xae: {  	v57 =	vadd.s32 $0x2800, v13;
	v43 =	vadd.s32 $0x2800, v18;
	v32 =	vadd.f32 v32, v39;
	v39 =	vld.idx.msk [tilespmem:v61+s2+$0x0], $0xffff  }
0xaf: {  	v51 =	vadd.f32 v63, v62;
	v61 =	vunpack.i.u.bf16.f32 v36;
	v62 =	vadd.s32 $0x2800, v16;
	v23 =	vld.idx.msk [tilespmem:v23+s2+$0x0], $0xffff  }
0xb0: {  	v36 =	vunpack.i.l.bf16.f32 v36;
	v63 =	vmul.bf16 v38, v52;
	v52 =	vadd.s32 $0x2800, v14;
	v48 =	vld.idx.msk [tilespmem:v48+s2+$0x0], $0xffff  }
0xb1: {  	v32 =	vadd.f32 v36, v32;
	v38 =	vld.idx.msk [tilespmem:v60+s2+$0x0], $0xffff;
	v51 =	vadd.f32 v61, v51;
	v60 =	vunpack.i.u.bf16.f32 v33  }
0xb2: {  	v33 =	vunpack.i.l.bf16.f32 v33;
	v34 =	vmul.bf16 v34, v63;
	v36 =	vld.idx.msk [tilespmem:v47+s2+$0x0], $0xffff;
	v47 =	vadd.s32 $0x2800, v12  }
0xb3: {  	v55 =	vld.idx.msk [tilespmem:v55+s2+$0x0], $0xffff;
	v61 =	vmul.bf16 v44, v50;
	v50 =	vadd.s32 $0x2800, v11;
	v63 =	vadd.s32 $0x2800, v10  }
0xb4: {  	v32 =	vadd.f32 v33, v32;
	v51 =	vadd.f32 v60, v51;
	v60 =	vmul.bf16 v37, v46;
	v37 =	vld.idx.msk [tilespmem:v57+s2+$0x0], $0xffff  }
0xb5: {  	v33 =	vmul.bf16 v54, v61;
	v54 =	vadd.s32 $0x2800, v9;
	v46 =	vadd.s32 $0x2800, v8;
	v43 =	vld.idx.msk [tilespmem:v43+s2+$0x0], $0xffff  }
0xb6: {  	v57 =	vadd.s32 $0x2800, v7;
	v44 =	vld.idx.msk [tilespmem:v62+s2+$0x0], $0xffff;
	v62 =	vunpack.i.u.bf16.f32 v34;
	v34 =	vunpack.i.l.bf16.f32 v34  }
0xb7: {  	v52 =	vld.idx.msk [tilespmem:v52+s2+$0x0], $0xffff;
	v39 =	vmul.bf16 v39, v40;
	v32 =	vadd.f32 v34, v32;
	v51 =	vadd.f32 v62, v51  }
0xb8: {  	v61 =	vunpack.i.u.bf16.f32 v33;
	v33 =	vunpack.i.l.bf16.f32 v33;
	v34 =	vmul.bf16 v42, v60;
	v47 =	vld.idx.msk [tilespmem:v47+s2+$0x0], $0xffff  }
0xb9: {  	v62 =	vmul.bf16 v45, v35;
	v45 =	vadd.s32 $0x2800, v5;
	v60 =	vadd.s32 $0x2800, v4;
	v42 =	vld.idx.msk [tilespmem:v50+s2+$0x0], $0xffff  }
0xba: {  	v50 =	vadd.s32 $0x2800, v6;
	v35 =	vld.idx.msk [tilespmem:v63+s2+$0x0], $0xffff;
	v38 =	vmul.bf16 v38, v41;
	v39 =	vmul.bf16 v49, v39  }
0xbb: {  	v32 =	vadd.f32 v33, v32;
	v51 =	vadd.f32 v61, v51;
	v63 =	vunpack.i.u.bf16.f32 v34;
	v54 =	vld.idx.msk [tilespmem:v54+s2+$0x0], $0xffff  }
0xbc: {  	v34 =	vunpack.i.l.bf16.f32 v34;
	v33 =	vmul.bf16 v48, v62;
	v48 =	vadd.s32 $0x2800, v3;
	v46 =	vld.idx.msk [tilespmem:v46+s2+$0x0], $0xffff  }
0xbd: {  	v62 =	vadd.s32 $0x2800, v2;
	v32 =	vadd.f32 v34, v32;
	v61 =	vadd.f32 v63, v51;
	v51 =	vld.idx.msk [tilespmem:v57+s2+$0x0], $0xffff  }
0xbe: {  	v63 =	vunpack.i.u.bf16.f32 v33;
	v33 =	vunpack.i.l.bf16.f32 v33;
	v36 =	vmul.bf16 v44, v36;
	v41 =	vld.idx.msk [tilespmem:v45+s2+$0x0], $0xffff  }
0xbf: {  	v37 =	vmul.bf16 v37, v52;
	v52 =	vadd.s32 $0x3000, v18;
	v57 =	vadd.s32 $0x3000, v5;
	v49 =	vld.idx.msk [tilespmem:v60+s2+$0x0], $0xffff  }
0xc0: {  	v18 =	vadd.s32 $0x3800, v18;
	v5 =	vadd.s32 $0x3800, v5;
	v60 =	vmul.bf16 v43, v38;
	v40 =	vld.idx.msk [tilespmem:v50+s2+$0x0], $0xffff  }
0xc1: {  	v45 =	vadd.s32 $0x2800, v0;
	v32 =	vadd.f32 v33, v32;
	v33 =	vadd.f32 v63, v61;
	v38 =	vld.idx.msk [tilespmem:v48+s2+$0x0], $0xffff  }
0xc2: {  	v61 =	vunpack.i.u.bf16.f32 v39;
	v39 =	vunpack.i.l.bf16.f32 v39;
	v44 =	vld.idx.msk [tilespmem:v62+s2+$0x0], $0xffff;
	v34 =	vunpack.i.l.bf16.f32 v60  }
0xc3: {  	v43 =	vadd.s32 $0x3000, v22;
	v34 =	vadd.f32 v34, v39;
	v39 =	vld.idx.msk [tilespmem:v56+s2+$0x0], $0xffff  }
0xc4: {  	v52 =	vld.idx.msk [tilespmem:v52+s2+$0x0], $0xffff  }
0xc5: {  	v22 =	vadd.s32 $0x3800, v22;
	v18 =	vld.idx.msk [tilespmem:v18+s2+$0x0], $0xffff  }
0xc6: {  	v50 =	vadd.s32 $0x2800, v1;
	v36 =	vmul.bf16 v55, v36;
	v5 =	vld.idx.msk [tilespmem:v5+s2+$0x0], $0xffff  }
0xc7: {  	v55 =	vadd.s32 $0x3000, v19;
	v35 =	vmul.bf16 v35, v42;
	v19 =	vadd.s32 $0x3800, v19;
	v45 =	vld.idx.msk [tilespmem:v45+s2+$0x0], $0xffff  }
0xc8: {  	v63 =	vunpack.i.u.bf16.f32 v60;
	v60 =	vunpack.i.u.bf16.f32 v36;
	v36 =	vunpack.i.l.bf16.f32 v36;
	v43 =	vld.idx.msk [tilespmem:v43+s2+$0x0], $0xffff  }
0xc9: {  	v42 =	vadd.s32 $0x3000, v15;
	v15 =	vadd.s32 $0x3800, v15;
	v34 =	vadd.f32 v36, v34;
	v36 =	vld.idx.msk [tilespmem:v58+s2+$0x0], $0xffff  }
0xca: {  	v62 =	vadd.s32 $0x3000, v21;
	v22 =	vld.idx.msk [tilespmem:v22+s2+$0x0], $0xffff  }
0xcb: {  	v50 =	vld.idx.msk [tilespmem:v50+s2+$0x0], $0xffff  }
0xcc: {  	v21 =	vadd.s32 $0x3800, v21;
	v48 =	vadd.f32 v63, v61;
	v55 =	vld.idx.msk [tilespmem:v55+s2+$0x0], $0xffff  }
0xcd: {  	v37 =	vmul.bf16 v47, v37;
	v61 =	vadd.s32 $0x3000, v17;
	v35 =	vmul.bf16 v54, v35;
	v19 =	vld.idx.msk [tilespmem:v19+s2+$0x0], $0xffff  }
0xce: {  	v54 =	vadd.s32 $0x3000, v13;
	v48 =	vadd.f32 v60, v48;
	v60 =	vmul.bf16 v51, v46;
	v15 =	vld.idx.msk [tilespmem:v15+s2+$0x0], $0xffff  }
0xcf: {  	v63 =	vunpack.i.u.bf16.f32 v37;
	v37 =	vunpack.i.l.bf16.f32 v37;
	v17 =	vadd.s32 $0x3800, v17;
	v47 =	vld.idx.msk [tilespmem:v62+s2+$0x0], $0xffff  }
0xd0: {  	v13 =	vadd.s32 $0x3800, v13;
	v34 =	vadd.f32 v37, v34;
	v37 =	vmul.bf16 v40, v60;
	v40 =	vld.idx.msk [tilespmem:v42+s2+$0x0], $0xffff  }
0xd1: {  	v58 =	vadd.s32 $0x3000, v14;
	v21 =	vld.idx.msk [tilespmem:v21+s2+$0x0], $0xffff  }
0xd2: {  	v59 =	vadd.s32 $0x3000, v0;
	v51 =	vadd.s32 $0x3000, v12;
	v46 =	vld.idx.msk [tilespmem:v61+s2+$0x0], $0xffff  }
0xd3: {  	v0 =	vadd.s32 $0x3800, v0;
	v14 =	vadd.s32 $0x3800, v14;
	v12 =	vadd.s32 $0x3800, v12;
	v54 =	vld.idx.msk [tilespmem:v54+s2+$0x0], $0xffff  }
0xd4: {  	v62 =	vadd.s32 $0x3000, v16;
	v48 =	vadd.f32 v63, v48;
	v42 =	vadd.s32 $0x3000, v10;
	v17 =	vld.idx.msk [tilespmem:v17+s2+$0x0], $0xffff  }
0xd5: {  	v63 =	vmul.bf16 v49, v41;
	v49 =	vadd.s32 $0x3000, v9;
	v16 =	vadd.s32 $0x3800, v16;
	v13 =	vld.idx.msk [tilespmem:v13+s2+$0x0], $0xffff  }
0xd6: {  	v10 =	vadd.s32 $0x3800, v10;
	v61 =	vunpack.i.u.bf16.f32 v35;
	v35 =	vunpack.i.l.bf16.f32 v35;
	v41 =	vld.idx.msk [tilespmem:v58+s2+$0x0], $0xffff  }
0xd7: {  	v9 =	vadd.s32 $0x3800, v9;
	v34 =	vadd.f32 v35, v34;
	v35 =	vmul.bf16 v38, v63;
	v38 =	vld.idx.msk [tilespmem:v51+s2+$0x0], $0xffff  }
0xd8: {  	v48 =	vadd.f32 v61, v48;
	v60 =	vunpack.i.u.bf16.f32 v37;
	v37 =	vunpack.i.l.bf16.f32 v37;
	v14 =	vld.idx.msk [tilespmem:v14+s2+$0x0], $0xffff  }
0xd9: {  	v58 =	vadd.s32 $0x3000, v8;
	v51 =	vadd.s32 $0x3000, v7;
	v8 =	vadd.s32 $0x3800, v8;
	v12 =	vld.idx.msk [tilespmem:v12+s2+$0x0], $0xffff  }
0xda: {  	v7 =	vadd.s32 $0x3800, v7;
	v22 =	vmul.bf16 v22, v23;
	v34 =	vadd.f32 v37, v34;
	v53 =	vld.idx.msk [tilespmem:v62+s2+$0x0], $0xffff  }
0xdb: {  	v61 =	vmul.bf16 v50, v44;
	v48 =	vadd.f32 v60, v48;
	v63 =	vunpack.i.u.bf16.f32 v35;
	v42 =	vld.idx.msk [tilespmem:v42+s2+$0x0], $0xffff  }
0xdc: {  	v35 =	vunpack.i.l.bf16.f32 v35;
	v60 =	vmul.bf16 v43, v39;
	v43 =	vadd.s32 $0x3000, v3;
	v16 =	vld.idx.msk [tilespmem:v16+s2+$0x0], $0xffff  }
0xdd: {  	v36 =	vmul.bf16 v55, v36;
	v19 =	vmul.bf16 v19, v20;
	v3 =	vadd.s32 $0x3800, v3;
	v10 =	vld.idx.msk [tilespmem:v10+s2+$0x0], $0xffff  }
0xde: {  	v62 =	vadd.s32 $0x3000, v11;
	v11 =	vadd.s32 $0x3800, v11;
	v37 =	vmul.bf16 v45, v61;
	v45 =	vld.idx.msk [tilespmem:v49+s2+$0x0], $0xffff  }
0xdf: {  	v49 =	vadd.s32 $0x3000, v4;
	v34 =	vadd.f32 v35, v34;
	v48 =	vadd.f32 v63, v48;
	v39 =	vld.idx.msk [tilespmem:v58+s2+$0x0], $0xffff  }
0xe0: {  	v47 =	vmul.bf16 v47, v60;
	v36 =	vmul.bf16 v52, v36;
	v4 =	vadd.s32 $0x3800, v4;
	v51 =	vld.idx.msk [tilespmem:v51+s2+$0x0], $0xffff  }
0xe1: {  	v18 =	vmul.bf16 v18, v19;
	v61 =	vunpack.i.l.bf16.f32 v37;
	v63 =	vunpack.i.u.bf16.f32 v37;
	v37 =	vld.idx.msk [tilespmem:v57+s2+$0x0], $0xffff  }
0xe2: {  	v58 =	vadd.s32 $0x3000, v2;
	v52 =	vunpack.i.u.bf16.f32 v36;
	v36 =	vunpack.i.l.bf16.f32 v36;
	v8 =	vld.idx.msk [tilespmem:v8+s2+$0x0], $0xffff  }
0xe3: {  	v41 =	vmul.bf16 v54, v41;
	v7 =	vld.idx.msk [tilespmem:v7+s2+$0x0], $0xffff;
	v2 =	vadd.s32 $0x3800, v2;
	v13 =	vmul.bf16 v13, v14  }
0xe4: {  	v19 =	vunpack.i.u.bf16.f32 v18;
	v18 =	vunpack.i.l.bf16.f32 v18;
	v34 =	vadd.f32 v61, v34;
	v44 =	vld.idx.msk [tilespmem:v62+s2+$0x0], $0xffff  }
0xe5: {  	v61 =	vunpack.i.u.bf16.f32 v47;
	v47 =	vunpack.i.l.bf16.f32 v47;
	v46 =	vmul.bf16 v53, v46;
	v11 =	vld.idx.msk [tilespmem:v11+s2+$0x0], $0xffff  }
0xe6: {  	v62 =	vadd.s32 $0x3000, v6;
	v38 =	vmul.bf16 v38, v41;
	v16 =	vmul.bf16 v16, v17;
	v60 =	vld.idx.msk [tilespmem:v49+s2+$0x0], $0xffff  }
0xe7: {  	v35 =	vadd.f32 v63, v48;
	v36 =	vadd.f32 v36, v47;
	v6 =	vadd.s32 $0x3800, v6;
	v4 =	vld.idx.msk [tilespmem:v4+s2+$0x0], $0xffff  }
0xe8: {  	v9 =	vld.idx.msk [tilespmem:v9+s2+$0x0], $0xffff;
	v40 =	vmul.bf16 v40, v46;
	v57 =	vunpack.i.u.bf16.f32 v38;
	v15 =	vmul.bf16 v15, v16  }
0xe9: {  	v43 =	vld.idx.msk [tilespmem:v43+s2+$0x0], $0xffff;
	v38 =	vunpack.i.l.bf16.f32 v38;
	v39 =	vmul.bf16 v51, v39;
	v7 =	vmul.bf16 v7, v8  }
0xea: {  	v3 =	vld.idx.msk [tilespmem:v3+s2+$0x0], $0xffff;
	v63 =	vunpack.i.l.bf16.f32 v40;
	v40 =	vunpack.i.u.bf16.f32 v40;
	v47 =	vunpack.i.l.bf16.f32 v15  }
0xeb: {  	v50 =	vld.idx.msk [tilespmem:v62+s2+$0x0], $0xffff;
	v62 =	vadd.s32 $0x3000, v1;
	v42 =	vmul.bf16 v42, v44;
	v10 =	vmul.bf16 v10, v11  }
0xec: {  	v36 =	vadd.f32 v63, v36;
	v37 =	vmul.bf16 v60, v37;
	v4 =	vmul.bf16 v4, v5  }
0xed: {  	v1 =	vadd.s32 $0x3800, v1;
	v56 =	vmul.bf16 v45, v42;
	v42 =	vmul.bf16 v21, v22  }
0xee: {  	v49 =	vld.idx.msk [tilespmem:v59+s2+$0x0], $0xffff;
	v36 =	vadd.f32 v38, v36;
	v45 =	vmul.bf16 v12, v13;
	v9 =	vmul.bf16 v9, v10  }
0xef: {  	v6 =	vld.idx.msk [tilespmem:v6+s2+$0x0], $0xffff;
	v37 =	vmul.bf16 v43, v37;
	v3 =	vmul.bf16 v3, v4;
	v59 =	vunpack.i.l.bf16.f32 v56  }
0xf0: {  	v46 =	vld.idx.msk [tilespmem:v58+s2+$0x0], $0xffff;
	v60 =	vunpack.i.u.bf16.f32 v56;
	v43 =	vunpack.i.u.bf16.f32 v42;
	v44 =	vunpack.i.l.bf16.f32 v42  }
0xf1: {  	v48 =	vunpack.i.u.bf16.f32 v45;
	v11 =	vunpack.i.l.bf16.f32 v45;
	v53 =	vld.idx.msk [tilespmem:v62+s2+$0x0], $0xffff;
	v62 =	vadd.f32 v52, v61  }
0xf2: {  	s30 =	sand.u32 $0x70, s17;
	s19 =	sand.u32 $0x3C00, s16;
	v36 =	vadd.f32 v59, v36;
	v39 =	vmul.bf16 v50, v39;
	v16 =	vadd.f32 v18, v44  }
0xf3: {  	s18 =	sor.u32 s30, s19;
	v14 =	vadd.f32 v19, v43;
	v50 =	vunpack.i.u.bf16.f32 v9;
	v9 =	vunpack.i.l.bf16.f32 v9  }
0xf4: {  	[tilespmem:s18+$0x10000] =	vst v25;
	v2 =	vld.idx.msk [tilespmem:v2+s2+$0x0], $0xffff;
	v6 =	vmul.bf16 v6, v7;
	v40 =	vadd.f32 v40, v62;
	v61 =	vunpack.i.u.bf16.f32 v39  }
0xf5: {  	[tilespmem:s18+$0x10080] =	vst v24;
	v1 =	vld.idx.msk [tilespmem:v1+s2+$0x0], $0xffff;
	v39 =	vunpack.i.l.bf16.f32 v39;
	v62 =	vunpack.i.u.bf16.f32 v37;
	v13 =	vadd.f32 v47, v16  }
0xf6: {  	[tilespmem:s18+$0x10100] =	vst v27;
	v58 =	vadd.f32 v57, v40;
	v40 =	vmul.bf16 v53, v46;
	v46 =	vunpack.i.u.bf16.f32 v15  }
0xf7: {  	s31 =	sand.u32 $0x7, s15;
	[tilespmem:s18+$0x10180] =	vst v26;
	v0 =	vld.idx.msk [tilespmem:v0+s2+$0x0], $0xffff;
	v37 =	vunpack.i.l.bf16.f32 v37;
	v54 =	vunpack.i.l.bf16.f32 v6;
	v12 =	vadd.f32 v46, v14  }
0xf8: {  	s19 =	sshll.u32 s31, $0x4;
	[tilespmem:s18+$0x10200] =	vst v29;
	v36 =	vadd.f32 v39, v36;
	v41 =	vmul.bf16 v49, v40;
	v49 =	vadd.f32 v11, v13  }
0xf9: {  	s19 =	sadd.s32 s19, s16;
	[tilespmem:s18+$0x10280] =	vst v28;
	v56 =	vunpack.i.u.bf16.f32 v6;
	v38 =	vadd.f32 v60, v58;
	v10 =	vadd.f32 v48, v12  }
0xfa: {  	s19 =	sor.u32 $0x380, s19;
	[tilespmem:s18+$0x10300] =	vst v31;
	v36 =	vadd.f32 v37, v36;
	v1 =	vmul.bf16 v1, v2;
	v52 =	vadd.f32 v9, v49  }
0xfb: {  	[tilespmem:s19+$0x10000] =	vst v30;
	v58 =	vunpack.i.l.bf16.f32 v3;
	v38 =	vadd.f32 v61, v38;
	v53 =	vadd.f32 v50, v10  }
0xfc: {  	[tilespmem:s18+$0x14000] =	vst v32;
	v60 =	vunpack.i.u.bf16.f32 v3;
	v0 =	vmul.bf16 v0, v1;
	v57 =	vadd.f32 v54, v52  }
0xfd: {  	[tilespmem:s18+$0x14080] =	vst v33;
	v55 =	vunpack.i.l.bf16.f32 v41;
	v63 =	vadd.f32 v62, v38;
	v4 =	vadd.f32 v56, v53  }
0xfe: {  	p0 =	sne.s32 s17, $0x7F0;
	[tilespmem:s18+$0x14100] =	vst v34;
	v51 =	vunpack.i.u.bf16.f32 v41;
	v59 =	vadd.f32 v55, v36;
	v61 =	vadd.f32 v58, v57  }
.Ltmp0:
0xff: {  	[tilespmem:s18+$0x14180] =	vst v35;
	v62 =	vunpack.i.l.bf16.f32 v0;
	v5 =	vadd.f32 v51, v63;
	v2 =	vadd.f32 v60, v4;
	(pc) =	sbr.rel @p0 .LBB2_2-.Ltmp0, $4  }
0x100: {  	v0 =	vunpack.i.u.bf16.f32 v0;
	[tilespmem:s18+$0x14200] =	vst v59;
	v63 =	vadd.f32 v62, v61  }
0x101: {  	[tilespmem:s18+$0x14280] =	vst v5;
	v0 =	vadd.f32 v0, v2  }
0x102: {  	s15 =	sadd.s32 $0x1, s15;
	[tilespmem:s18+$0x14300] =	vst v63  }
0x103: {  	s14 =	sadd.s32 $0x10, s14;
	s17 =	sadd.s32 $0x10, s17;
	s16 =	sadd.s32 $0x80, s16;
	[tilespmem:s18+$0x14380] =	vst v0  }
0x104: {  	s13 =	sadd.s32 $0x1, s13  }
0x105: {  	p0 =	sne.s32 s13, s7  }
.Ltmp1:
0x106: {  	_ = 	snop;
	(pc) =	sbr.rel @p0 .LBB2_1-.Ltmp1, $4  }
0x107: {  	[hbm4b:s6+s2] =	stream.linear.scatter [tilespmem:s11], [sflag:$0x3], $0x8000, $0x38;
	[tilespmem:$0x18000] =	vst v63  }
0x108: {  	_ =	swait.ge [sflag:s12], $0x8000  }
0x109: {  	[sflag:s12] =	ssyncset.done $0x0  }
0x10a: {  	[sflag:s12] =	ssyncadd.s32 $0xFFFF8000  }
0x10b: {  	_ =	sfence.sel $0x180000  }
0x10c: {  	[bflag:$0x0] =	sbarrier.arrive $0xFFFF  }
0x10d: {  	p0 =	sne.s32 s0, $0x0;
	_ =	strace $0x90000047  }
0x10e: {  	s0 =	sadd.s32 @!p0 $0x100000, s1;
	[bflag:$0x2] =	sbarrier.arrive $0xFFFF  }
0x10f: {  	[sflag:s0] =	ssyncadd.tile.s32 @!p0 $0x1;
	_ =	shalt  }
.Lfunc_end2:
_tile_overlayer_lowered:
.L_overlay_start_2:
0x110: {  	(tag) =	ssettag $0x2  }
0x111: {  	s0 =	rddreg [dreg:$0x0];
	s2 =	stileid.u32  }
0x112: {  	s1 =	rddreg [dreg:$0x1];
	p0 =	sne.s32 s2, $0x0  }
0x113: {  	s3 =	rddreg [dreg:$0x2];
	[bflag:$0x3] =	sbarrier.arrive $0xFFFF;
	s2 =	simm.s32 @!p0 $0x1C03  }
0x114: {  	[timem:s3], [sflag:s2] =	dma.local @!p0 [hbm:s0], s1  }
0x115: {  	s0 =	simm.s32 @!p0 $0x3  }
0x116: {  	_ =	swait.ge @!p0 [sflag:s0], s1  }
0x117: {  	s1 =	ssub.s32 @!p0 $0x0, s1;
	[sflag:s0] =	ssyncset.done @!p0 $0x0  }
0x118: {  	[sflag:s0] =	ssyncadd.s32 @!p0 s1  }
0x119: {  	[bflag:$0x3] =	sbarrier.arrive $0xFFFF  }
0x11a: {  	_ =	shalt  }

</sc_bundles>
